<compile_context>
chip_gen: v7x
topology: tpu7x:2x2x1
jax: 0.10.2.dev20260603
libtpu: 0.0.44.dev20260713+nightly
codegen_flags: <defaults>
</compile_context>

<pallas_src>
import functools

import jax
import jax.numpy as jnp
from jax import lax
from jax.experimental import pallas as pl
from jax.experimental.pallas import tpu as pltpu
from jax.experimental.pallas import tpu_sc as plsc

B, L, D = 4, 4096, 1024
C = 128
R = 128
RING = 640
NRB = L // R
NCB = D // C
NW = 32
NCHUNK = NRB + 3


def _sc_call(v):
    mesh = plsc.VectorSubcoreMesh(core_axis_name="c", subcore_axis_name="s")

    @functools.partial(
        pl.kernel,
        mesh=mesh,
        out_type=jax.ShapeDtypeStruct((B, L, D), jnp.float32),
        compiler_params=pltpu.CompilerParams(needs_layout_passes=False),
        scratch_types=[
            pltpu.VMEM((RING, C), jnp.float32),
            pltpu.VMEM((R, C), jnp.float32),
            pltpu.VMEM((R, C), jnp.float32),
            pltpu.SemaphoreType.DMA,
            pltpu.SemaphoreType.DMA,
            pltpu.SemaphoreType.DMA,
        ],
    )
    def k(v_hbm, out_hbm, ring, obuf0, obuf1, sem, osem0, osem1):
        wid = lax.axis_index("s") * 2 + lax.axis_index("c")
        b = wid // NCB
        cb = wid % NCB
        lane = lax.iota(jnp.int32, 16)

        hbm0 = -256 * cb - 256

        def fire(c):
            st = lax.rem(hbm0 + 128 * c + 2 * L, L)
            return pltpu.async_copy(
                v_hbm.at[b, pl.ds(st, 128), pl.ds(cb * C, C)],
                ring.at[pl.ds(128 * lax.rem(c, 5), 128)],
                sem,
            )

        primed = [fire(c) for c in range(4)]
        for cp in primed:
            cp.wait()

        pqs = []
        cols = []
        for g in range(C // 16):
            jl = 16 * g + lane
            d = jnp.maximum(256 * cb + 2 * jl - 2, 0)
            pqs.append((256 * cb + 256) - d)
            cols.append(jl)

        bufs = (obuf0, obuf1)
        osems = (osem0, osem1)

        def compute_block(rb, ob):
            def row_body(kk, _):
                r = 2 * kk
                nb = lax.rem(128 * rb + r, RING)
                for g in range(C // 16):
                    nv = pqs[g] + nb
                    nv = jnp.where(nv >= RING, nv - RING, nv)
                    a = plsc.load_gather(ring, [nv, cols[g]])
                    bb = plsc.load_gather(ring, [nv + 1, cols[g]])
                    ob[r, pl.ds(16 * g, 16)] = jnp.minimum(a, bb)
                    ob[r + 1, pl.ds(16 * g, 16)] = jnp.maximum(a, bb)
                return _

            lax.fori_loop(0, R // 2, row_body, None)

        def pair_body(t, carry):
            for par in range(2):
                rb = 2 * t + par
                ob, osem = bufs[par], osems[par]

                @pl.when(rb < NRB - 1)
                def _():
                    fire(rb + 4)

                @pl.when(t >= 1)
                def _():
                    pltpu.make_async_copy(
                        ob, out_hbm.at[0, pl.ds(0, R), pl.ds(0, C)], osem
                    ).wait()

                compute_block(rb, ob)

                pltpu.async_copy(
                    ob, out_hbm.at[b, pl.ds(R * rb, R), pl.ds(cb * C, C)], osem
                )

                @pl.when(rb < NRB - 1)
                def _():
                    pltpu.make_async_copy(
                        v_hbm.at[0, pl.ds(0, 128), pl.ds(0, C)],
                        ring.at[pl.ds(0, 128)],
                        sem,
                    ).wait()

            return carry

        lax.fori_loop(0, NRB // 2, pair_body, None)

        for par in range(2):
            pltpu.make_async_copy(
                bufs[par], out_hbm.at[0, pl.ds(0, R), pl.ds(0, C)], osems[par]
            ).wait()

    return k(v)


def kernel(v):
    return _sc_call(v)

# --- scband reference (transcript-rebuilt; emitter-appended) ---
"""Pipeline reference for scband-swd21-28449863369565 (READ-ONLY COPY).

The authoritative reference and input builder live on the scoring server;
editing this copy changes nothing except your own understanding.
"""

import math
import jax, jax.numpy as jnp
import numpy as np


def _sort_gather_indices(v_len, d_v):
    """Replicates SWD21.get_butterfly_matrix index construction.

    In the torch code, butterfly_factor_to_matrix is computed but its result is
    never used; the actual gather index for column j is a circularly shifted
    arange. Column 0 has shift 0 (the initial arange); the loop then appends
    columns with shift_offset = 0, 2, 4, ... (mod v_len), advancing by
    len_sort_window=2 each time, until d_v columns exist. Because
    cat([x[-0:], x[:-0]]) == x in torch slicing semantics, shift 0 is identity.
    Final matrix M has M[i, j] = (i - shift_j) mod v_len, shape [v_len, d_v].
    """
    len_sort_window = 2
    shifts = [0]  # initial arange column
    shift_offset = 0
    log_b_n = int(math.log(v_len, 2))
    while len(shifts) < d_v:
        for _factor_index in range(log_b_n):
            shifts.append(shift_offset)
            shift_offset = (shift_offset + len_sort_window) % v_len
            if len(shifts) == d_v:
                break
    shifts = np.asarray(shifts, dtype=np.int64)  # [d_v]
    i = np.arange(v_len, dtype=np.int64)[:, None]  # [v_len, 1]
    M = np.mod(i - shifts[None, :], v_len)  # [v_len, d_v]
    return M


def setup_inputs(seed: int = 0) -> dict:
    key = jax.random.key(seed)
    v = jax.random.normal(key, (4, 4096, 1024), dtype=jnp.float32)
    return {"v": v}


def reference(v):
    batch_size, v_len, d_v = v.shape
    len_sort_window = 2
    # gather index (constant w.r.t. v)
    M = jnp.asarray(_sort_gather_indices(v_len, d_v))  # [v_len, d_v] int64
    idx = jnp.broadcast_to(M[None, :, :], (batch_size, v_len, d_v))
    # torch.gather(v, 1, butterfly_matrix)
    v_shifted = jnp.take_along_axis(v, idx, axis=1)
    # window-2 sort along seq dim (descending=False)
    v_shifted = v_shifted.reshape(batch_size, v_len // len_sort_window, len_sort_window, d_v)
    v_sorted = jnp.sort(v_shifted, axis=2)
    out = v_sorted.reshape(batch_size, v_len, d_v)
    return out

if __name__ == "__main__":
    import jax
    _d = setup_inputs()
    print(jax.jit(kernel)(*tuple(_d.values())))

</pallas_src>

<mosaic_0001>
#map = affine_map<(d0, d1) -> (0, 0, 0)>
module attributes {stable_mosaic.version = 14 : i64} {
  func.func @k(%arg0: i32, %arg1: i32, %arg2: memref<4x4096x1024xf32, #tpu.memory_space<hbm>>, %arg3: memref<4x4096x1024xf32, #tpu.memory_space<hbm>>, %arg4: memref<640x128xf32, #tpu.memory_space<vmem>>, %arg5: memref<128x128xf32, #tpu.memory_space<vmem>>, %arg6: memref<128x128xf32, #tpu.memory_space<vmem>>, %arg7: memref<!tpu.dma_semaphore, #tpu.memory_space<semaphore_mem>>, %arg8: memref<!tpu.dma_semaphore, #tpu.memory_space<semaphore_mem>>, %arg9: memref<!tpu.dma_semaphore, #tpu.memory_space<semaphore_mem>>) attributes {dimension_semantics = [#tpu.dimension_semantics<core_parallel>, #tpu.dimension_semantics<subcore_parallel>], iteration_bounds = array<i64: 2, 16>, scalar_prefetch = 0 : i64, scratch_operands = 6 : i64, tpu.core_type = #tpu.core_type<sc_vector_subcore>, window_params = [{transform_indices = #map}, {transform_indices = #map}]} {
    %mul3A = arith.constant 2 : i32
    %mul3A_0 = arith.muli %arg1, %mul3A : i32
    %add3A = arith.addi %mul3A_0, %arg0 : i32
    %jit3A = arith.constant 8 : i32
    %div3A = arith.divsi %add3A, %jit3A : i32
    %sign3A = arith.constant 0 : i32
    %sign3A_1 = arith.cmpi sgt, %add3A, %sign3A : i32
    %sign3A_2 = arith.extui %sign3A_1 : i1 to i32
    %sign3A_3 = arith.constant 0 : i32
    %sign3A_4 = arith.cmpi slt, %add3A, %sign3A_3 : i32
    %sign3A_5 = arith.extui %sign3A_4 : i1 to i32
    %sign3A_6 = arith.subi %sign3A_2, %sign3A_5 : i32
    %sign3A_7 = arith.constant 0 : i32
    %sign3A_8 = arith.cmpi sgt, %jit3A, %sign3A_7 : i32
    %sign3A_9 = arith.extui %sign3A_8 : i1 to i32
    %sign3A_10 = arith.constant 0 : i32
    %sign3A_11 = arith.cmpi slt, %jit3A, %sign3A_10 : i32
    %sign3A_12 = arith.extui %sign3A_11 : i1 to i32
    %sign3A_13 = arith.subi %sign3A_9, %sign3A_12 : i32
    %ne3A = arith.cmpi ne, %sign3A_6, %sign3A_13 : i32
    %rem3A = arith.remsi %add3A, %jit3A : i32
    %ne3A_14 = arith.constant 0 : i32
    %ne3A_15 = arith.cmpi ne, %rem3A, %ne3A_14 : i32
    %and3A = arith.andi %ne3A, %ne3A_15 : i1
    %sub3A = arith.constant 1 : i32
    %sub3A_16 = arith.subi %div3A, %sub3A : i32
    %select_n3A = arith.select %and3A, %sub3A_16, %div3A : i32
    %jit3A_17 = arith.constant 8 : i32
    %eq3A = arith.constant 0 : i32
    %eq3A_18 = arith.cmpi eq, %jit3A_17, %eq3A : i32
    %jit3A_19 = arith.constant 1 : i32
    %select_n3A_20 = arith.select %eq3A_18, %jit3A_19, %jit3A_17 : i32
    %rem3A_21 = arith.remsi %add3A, %select_n3A_20 : i32
    %ne3A_22 = arith.constant 0 : i32
    %ne3A_23 = arith.cmpi ne, %rem3A_21, %ne3A_22 : i32
    %lt3A = arith.constant 0 : i32
    %lt3A_24 = arith.cmpi slt, %rem3A_21, %lt3A : i32
    %lt3A_25 = arith.constant 0 : i32
    %lt3A_26 = arith.cmpi slt, %select_n3A_20, %lt3A_25 : i32
    %ne3A_27 = arith.xori %lt3A_24, %lt3A_26 : i1
    %and3A_28 = arith.andi %ne3A_27, %ne3A_23 : i1
    %add3A_29 = arith.addi %rem3A_21, %select_n3A_20 : i32
    %select_n3A_30 = arith.select %and3A_28, %add3A_29, %rem3A_21 : i32
    %iota3A = tpu.iota {dimensions = array<i32: 0>} : vector<16xi32>
    %mul3A_31 = arith.constant -256 : i32
    %mul3A_32 = arith.muli %mul3A_31, %select_n3A_30 : i32
    %sub3A_33 = arith.constant 256 : i32
    %sub3A_34 = arith.subi %mul3A_32, %sub3A_33 : i32
    %add3A_35 = arith.constant 0 : i32
    %add3A_36 = arith.addi %sub3A_34, %add3A_35 : i32
    %add3A_37 = arith.constant 8192 : i32
    %add3A_38 = arith.addi %add3A_36, %add3A_37 : i32
    %rem3A_39 = arith.constant 4096 : i32
    %rem3A_40 = arith.remsi %add3A_38, %rem3A_39 : i32
    %mul3A_41 = arith.constant 128 : i32
    %mul3A_42 = arith.muli %select_n3A_30, %mul3A_41 : i32
    %rem3A_43 = arith.constant 0 : i32
    %rem3A_44 = arith.constant 5 : i32
    %rem3A_45 = arith.remsi %rem3A_43, %rem3A_44 : i32
    %mul3A_46 = arith.constant 128 : i32
    %mul3A_47 = arith.muli %mul3A_46, %rem3A_45 : i32
    %dma_start3A = arith.constant 0 : i32
    %dma_start3A_48 = tpu.memref_slice %arg4[%mul3A_47, %dma_start3A] : memref<640x128xf32, #tpu.memory_space<vmem>> -> memref<128x128xf32, #tpu.memory_space<vmem>>
    %dma_start3A_49 = tpu.memref_slice %arg2[%select_n3A, %rem3A_40, %mul3A_42] : memref<4x4096x1024xf32, #tpu.memory_space<hbm>> -> memref<1x128x128xf32, #tpu.memory_space<hbm>>
    %dma_start3A_50 = tpu.memref_squeeze %dma_start3A_49 : memref<1x128x128xf32, #tpu.memory_space<hbm>> -> memref<128x128xf32, #tpu.memory_space<hbm>>
    %dma_start3A_51 = arith.constant 0 : i32
    %dma_start3A_52 = tpu.memref_slice %arg4[%mul3A_47, %dma_start3A_51] : memref<640x128xf32, #tpu.memory_space<vmem>> -> memref<128x128xf32, #tpu.memory_space<vmem>>
    %dma_start3A_53 = tpu.memref_slice %arg2[%select_n3A, %rem3A_40, %mul3A_42] : memref<4x4096x1024xf32, #tpu.memory_space<hbm>> -> memref<1x128x128xf32, #tpu.memory_space<hbm>>
    %dma_start3A_54 = tpu.memref_squeeze %dma_start3A_53 : memref<1x128x128xf32, #tpu.memory_space<hbm>> -> memref<128x128xf32, #tpu.memory_space<hbm>>
    tpu.enqueue_dma source(%dma_start3A_54 : memref<128x128xf32, #tpu.memory_space<hbm>>) target(%dma_start3A_52 : memref<128x128xf32, #tpu.memory_space<vmem>>) target_semaphore(%arg7 : memref<!tpu.dma_semaphore, #tpu.memory_space<semaphore_mem>>)
    %add3A_55 = arith.constant 128 : i32
    %add3A_56 = arith.addi %sub3A_34, %add3A_55 : i32
    %add3A_57 = arith.constant 8192 : i32
    %add3A_58 = arith.addi %add3A_56, %add3A_57 : i32
    %rem3A_59 = arith.constant 4096 : i32
    %rem3A_60 = arith.remsi %add3A_58, %rem3A_59 : i32
    %mul3A_61 = arith.constant 128 : i32
    %mul3A_62 = arith.muli %select_n3A_30, %mul3A_61 : i32
    %rem3A_63 = arith.constant 1 : i32
    %rem3A_64 = arith.constant 5 : i32
    %rem3A_65 = arith.remsi %rem3A_63, %rem3A_64 : i32
    %mul3A_66 = arith.constant 128 : i32
    %mul3A_67 = arith.muli %mul3A_66, %rem3A_65 : i32
    %dma_start3A_68 = arith.constant 0 : i32
    %dma_start3A_69 = tpu.memref_slice %arg4[%mul3A_67, %dma_start3A_68] : memref<640x128xf32, #tpu.memory_space<vmem>> -> memref<128x128xf32, #tpu.memory_space<vmem>>
    %dma_start3A_70 = tpu.memref_slice %arg2[%select_n3A, %rem3A_60, %mul3A_62] : memref<4x4096x1024xf32, #tpu.memory_space<hbm>> -> memref<1x128x128xf32, #tpu.memory_space<hbm>>
    %dma_start3A_71 = tpu.memref_squeeze %dma_start3A_70 : memref<1x128x128xf32, #tpu.memory_space<hbm>> -> memref<128x128xf32, #tpu.memory_space<hbm>>
    %dma_start3A_72 = arith.constant 0 : i32
    %dma_start3A_73 = tpu.memref_slice %arg4[%mul3A_67, %dma_start3A_72] : memref<640x128xf32, #tpu.memory_space<vmem>> -> memref<128x128xf32, #tpu.memory_space<vmem>>
    %dma_start3A_74 = tpu.memref_slice %arg2[%select_n3A, %rem3A_60, %mul3A_62] : memref<4x4096x1024xf32, #tpu.memory_space<hbm>> -> memref<1x128x128xf32, #tpu.memory_space<hbm>>
    %dma_start3A_75 = tpu.memref_squeeze %dma_start3A_74 : memref<1x128x128xf32, #tpu.memory_space<hbm>> -> memref<128x128xf32, #tpu.memory_space<hbm>>
    tpu.enqueue_dma source(%dma_start3A_75 : memref<128x128xf32, #tpu.memory_space<hbm>>) target(%dma_start3A_73 : memref<128x128xf32, #tpu.memory_space<vmem>>) target_semaphore(%arg7 : memref<!tpu.dma_semaphore, #tpu.memory_space<semaphore_mem>>)
    %add3A_76 = arith.constant 256 : i32
    %add3A_77 = arith.addi %sub3A_34, %add3A_76 : i32
    %add3A_78 = arith.constant 8192 : i32
    %add3A_79 = arith.addi %add3A_77, %add3A_78 : i32
    %rem3A_80 = arith.constant 4096 : i32
    %rem3A_81 = arith.remsi %add3A_79, %rem3A_80 : i32
    %mul3A_82 = arith.constant 128 : i32
    %mul3A_83 = arith.muli %select_n3A_30, %mul3A_82 : i32
    %rem3A_84 = arith.constant 2 : i32
    %rem3A_85 = arith.constant 5 : i32
    %rem3A_86 = arith.remsi %rem3A_84, %rem3A_85 : i32
    %mul3A_87 = arith.constant 128 : i32
    %mul3A_88 = arith.muli %mul3A_87, %rem3A_86 : i32
    %dma_start3A_89 = arith.constant 0 : i32
    %dma_start3A_90 = tpu.memref_slice %arg4[%mul3A_88, %dma_start3A_89] : memref<640x128xf32, #tpu.memory_space<vmem>> -> memref<128x128xf32, #tpu.memory_space<vmem>>
    %dma_start3A_91 = tpu.memref_slice %arg2[%select_n3A, %rem3A_81, %mul3A_83] : memref<4x4096x1024xf32, #tpu.memory_space<hbm>> -> memref<1x128x128xf32, #tpu.memory_space<hbm>>
    %dma_start3A_92 = tpu.memref_squeeze %dma_start3A_91 : memref<1x128x128xf32, #tpu.memory_space<hbm>> -> memref<128x128xf32, #tpu.memory_space<hbm>>
    %dma_start3A_93 = arith.constant 0 : i32
    %dma_start3A_94 = tpu.memref_slice %arg4[%mul3A_88, %dma_start3A_93] : memref<640x128xf32, #tpu.memory_space<vmem>> -> memref<128x128xf32, #tpu.memory_space<vmem>>
    %dma_start3A_95 = tpu.memref_slice %arg2[%select_n3A, %rem3A_81, %mul3A_83] : memref<4x4096x1024xf32, #tpu.memory_space<hbm>> -> memref<1x128x128xf32, #tpu.memory_space<hbm>>
    %dma_start3A_96 = tpu.memref_squeeze %dma_start3A_95 : memref<1x128x128xf32, #tpu.memory_space<hbm>> -> memref<128x128xf32, #tpu.memory_space<hbm>>
    tpu.enqueue_dma source(%dma_start3A_96 : memref<128x128xf32, #tpu.memory_space<hbm>>) target(%dma_start3A_94 : memref<128x128xf32, #tpu.memory_space<vmem>>) target_semaphore(%arg7 : memref<!tpu.dma_semaphore, #tpu.memory_space<semaphore_mem>>)
    %add3A_97 = arith.constant 384 : i32
    %add3A_98 = arith.addi %sub3A_34, %add3A_97 : i32
    %add3A_99 = arith.constant 8192 : i32
    %add3A_100 = arith.addi %add3A_98, %add3A_99 : i32
    %rem3A_101 = arith.constant 4096 : i32
    %rem3A_102 = arith.remsi %add3A_100, %rem3A_101 : i32
    %mul3A_103 = arith.constant 128 : i32
    %mul3A_104 = arith.muli %select_n3A_30, %mul3A_103 : i32
    %rem3A_105 = arith.constant 3 : i32
    %rem3A_106 = arith.constant 5 : i32
    %rem3A_107 = arith.remsi %rem3A_105, %rem3A_106 : i32
    %mul3A_108 = arith.constant 128 : i32
    %mul3A_109 = arith.muli %mul3A_108, %rem3A_107 : i32
    %dma_start3A_110 = arith.constant 0 : i32
    %dma_start3A_111 = tpu.memref_slice %arg4[%mul3A_109, %dma_start3A_110] : memref<640x128xf32, #tpu.memory_space<vmem>> -> memref<128x128xf32, #tpu.memory_space<vmem>>
    %dma_start3A_112 = tpu.memref_slice %arg2[%select_n3A, %rem3A_102, %mul3A_104] : memref<4x4096x1024xf32, #tpu.memory_space<hbm>> -> memref<1x128x128xf32, #tpu.memory_space<hbm>>
    %dma_start3A_113 = tpu.memref_squeeze %dma_start3A_112 : memref<1x128x128xf32, #tpu.memory_space<hbm>> -> memref<128x128xf32, #tpu.memory_space<hbm>>
    %dma_start3A_114 = arith.constant 0 : i32
    %dma_start3A_115 = tpu.memref_slice %arg4[%mul3A_109, %dma_start3A_114] : memref<640x128xf32, #tpu.memory_space<vmem>> -> memref<128x128xf32, #tpu.memory_space<vmem>>
    %dma_start3A_116 = tpu.memref_slice %arg2[%select_n3A, %rem3A_102, %mul3A_104] : memref<4x4096x1024xf32, #tpu.memory_space<hbm>> -> memref<1x128x128xf32, #tpu.memory_space<hbm>>
    %dma_start3A_117 = tpu.memref_squeeze %dma_start3A_116 : memref<1x128x128xf32, #tpu.memory_space<hbm>> -> memref<128x128xf32, #tpu.memory_space<hbm>>
    tpu.enqueue_dma source(%dma_start3A_117 : memref<128x128xf32, #tpu.memory_space<hbm>>) target(%dma_start3A_115 : memref<128x128xf32, #tpu.memory_space<vmem>>) target_semaphore(%arg7 : memref<!tpu.dma_semaphore, #tpu.memory_space<semaphore_mem>>)
    %dma_wait3A = arith.constant 0 : i32
    %dma_wait3A_118 = tpu.memref_slice %arg4[%mul3A_47, %dma_wait3A] : memref<640x128xf32, #tpu.memory_space<vmem>> -> memref<128x128xf32, #tpu.memory_space<vmem>>
    %dma_wait3A_119 = tpu.memref_slice %arg2[%select_n3A, %rem3A_40, %mul3A_42] : memref<4x4096x1024xf32, #tpu.memory_space<hbm>> -> memref<1x128x128xf32, #tpu.memory_space<hbm>>
    %dma_wait3A_120 = tpu.memref_squeeze %dma_wait3A_119 : memref<1x128x128xf32, #tpu.memory_space<hbm>> -> memref<128x128xf32, #tpu.memory_space<hbm>>
    %dma_wait3A_121 = arith.constant 0 : i32
    %dma_wait3A_122 = tpu.memref_slice %arg4[%mul3A_47, %dma_wait3A_121] : memref<640x128xf32, #tpu.memory_space<vmem>> -> memref<128x128xf32, #tpu.memory_space<vmem>>
    %dma_wait3A_123 = tpu.memref_slice %arg2[%select_n3A, %rem3A_40, %mul3A_42] : memref<4x4096x1024xf32, #tpu.memory_space<hbm>> -> memref<1x128x128xf32, #tpu.memory_space<hbm>>
    %dma_wait3A_124 = tpu.memref_squeeze %dma_wait3A_123 : memref<1x128x128xf32, #tpu.memory_space<hbm>> -> memref<128x128xf32, #tpu.memory_space<hbm>>
    tpu.wait_dma2 semaphore(%arg7 : memref<!tpu.dma_semaphore, #tpu.memory_space<semaphore_mem>>) src(%dma_wait3A_124 : memref<128x128xf32, #tpu.memory_space<hbm>>) dst(%dma_wait3A_122 : memref<128x128xf32, #tpu.memory_space<vmem>>)
    %dma_wait3A_125 = arith.constant 0 : i32
    %dma_wait3A_126 = tpu.memref_slice %arg4[%mul3A_67, %dma_wait3A_125] : memref<640x128xf32, #tpu.memory_space<vmem>> -> memref<128x128xf32, #tpu.memory_space<vmem>>
    %dma_wait3A_127 = tpu.memref_slice %arg2[%select_n3A, %rem3A_60, %mul3A_62] : memref<4x4096x1024xf32, #tpu.memory_space<hbm>> -> memref<1x128x128xf32, #tpu.memory_space<hbm>>
    %dma_wait3A_128 = tpu.memref_squeeze %dma_wait3A_127 : memref<1x128x128xf32, #tpu.memory_space<hbm>> -> memref<128x128xf32, #tpu.memory_space<hbm>>
    %dma_wait3A_129 = arith.constant 0 : i32
    %dma_wait3A_130 = tpu.memref_slice %arg4[%mul3A_67, %dma_wait3A_129] : memref<640x128xf32, #tpu.memory_space<vmem>> -> memref<128x128xf32, #tpu.memory_space<vmem>>
    %dma_wait3A_131 = tpu.memref_slice %arg2[%select_n3A, %rem3A_60, %mul3A_62] : memref<4x4096x1024xf32, #tpu.memory_space<hbm>> -> memref<1x128x128xf32, #tpu.memory_space<hbm>>
    %dma_wait3A_132 = tpu.memref_squeeze %dma_wait3A_131 : memref<1x128x128xf32, #tpu.memory_space<hbm>> -> memref<128x128xf32, #tpu.memory_space<hbm>>
    tpu.wait_dma2 semaphore(%arg7 : memref<!tpu.dma_semaphore, #tpu.memory_space<semaphore_mem>>) src(%dma_wait3A_132 : memref<128x128xf32, #tpu.memory_space<hbm>>) dst(%dma_wait3A_130 : memref<128x128xf32, #tpu.memory_space<vmem>>)
    %dma_wait3A_133 = arith.constant 0 : i32
    %dma_wait3A_134 = tpu.memref_slice %arg4[%mul3A_88, %dma_wait3A_133] : memref<640x128xf32, #tpu.memory_space<vmem>> -> memref<128x128xf32, #tpu.memory_space<vmem>>
    %dma_wait3A_135 = tpu.memref_slice %arg2[%select_n3A, %rem3A_81, %mul3A_83] : memref<4x4096x1024xf32, #tpu.memory_space<hbm>> -> memref<1x128x128xf32, #tpu.memory_space<hbm>>
    %dma_wait3A_136 = tpu.memref_squeeze %dma_wait3A_135 : memref<1x128x128xf32, #tpu.memory_space<hbm>> -> memref<128x128xf32, #tpu.memory_space<hbm>>
    %dma_wait3A_137 = arith.constant 0 : i32
    %dma_wait3A_138 = tpu.memref_slice %arg4[%mul3A_88, %dma_wait3A_137] : memref<640x128xf32, #tpu.memory_space<vmem>> -> memref<128x128xf32, #tpu.memory_space<vmem>>
    %dma_wait3A_139 = tpu.memref_slice %arg2[%select_n3A, %rem3A_81, %mul3A_83] : memref<4x4096x1024xf32, #tpu.memory_space<hbm>> -> memref<1x128x128xf32, #tpu.memory_space<hbm>>
    %dma_wait3A_140 = tpu.memref_squeeze %dma_wait3A_139 : memref<1x128x128xf32, #tpu.memory_space<hbm>> -> memref<128x128xf32, #tpu.memory_space<hbm>>
    tpu.wait_dma2 semaphore(%arg7 : memref<!tpu.dma_semaphore, #tpu.memory_space<semaphore_mem>>) src(%dma_wait3A_140 : memref<128x128xf32, #tpu.memory_space<hbm>>) dst(%dma_wait3A_138 : memref<128x128xf32, #tpu.memory_space<vmem>>)
    %dma_wait3A_141 = arith.constant 0 : i32
    %dma_wait3A_142 = tpu.memref_slice %arg4[%mul3A_109, %dma_wait3A_141] : memref<640x128xf32, #tpu.memory_space<vmem>> -> memref<128x128xf32, #tpu.memory_space<vmem>>
    %dma_wait3A_143 = tpu.memref_slice %arg2[%select_n3A, %rem3A_102, %mul3A_104] : memref<4x4096x1024xf32, #tpu.memory_space<hbm>> -> memref<1x128x128xf32, #tpu.memory_space<hbm>>
    %dma_wait3A_144 = tpu.memref_squeeze %dma_wait3A_143 : memref<1x128x128xf32, #tpu.memory_space<hbm>> -> memref<128x128xf32, #tpu.memory_space<hbm>>
    %dma_wait3A_145 = arith.constant 0 : i32
    %dma_wait3A_146 = tpu.memref_slice %arg4[%mul3A_109, %dma_wait3A_145] : memref<640x128xf32, #tpu.memory_space<vmem>> -> memref<128x128xf32, #tpu.memory_space<vmem>>
    %dma_wait3A_147 = tpu.memref_slice %arg2[%select_n3A, %rem3A_102, %mul3A_104] : memref<4x4096x1024xf32, #tpu.memory_space<hbm>> -> memref<1x128x128xf32, #tpu.memory_space<hbm>>
    %dma_wait3A_148 = tpu.memref_squeeze %dma_wait3A_147 : memref<1x128x128xf32, #tpu.memory_space<hbm>> -> memref<128x128xf32, #tpu.memory_space<hbm>>
    tpu.wait_dma2 semaphore(%arg7 : memref<!tpu.dma_semaphore, #tpu.memory_space<semaphore_mem>>) src(%dma_wait3A_148 : memref<128x128xf32, #tpu.memory_space<hbm>>) dst(%dma_wait3A_146 : memref<128x128xf32, #tpu.memory_space<vmem>>)
    %add3A_149 = arith.constant 0 : i32
    %add3A_150 = vector.broadcast %add3A_149 : i32 to vector<16xi32>
    %add3A_151 = arith.addi %add3A_150, %iota3A : vector<16xi32>
    %mul3A_152 = arith.constant 256 : i32
    %mul3A_153 = arith.muli %mul3A_152, %select_n3A_30 : i32
    %mul3A_154 = arith.constant 2 : i32
    %mul3A_155 = vector.broadcast %mul3A_154 : i32 to vector<16xi32>
    %mul3A_156 = arith.muli %mul3A_155, %add3A_151 : vector<16xi32>
    %add3A_157 = vector.broadcast %mul3A_153 : i32 to vector<16xi32>
    %add3A_158 = arith.addi %add3A_157, %mul3A_156 : vector<16xi32>
    %sub3A_159 = arith.constant 2 : i32
    %sub3A_160 = vector.broadcast %sub3A_159 : i32 to vector<16xi32>
    %sub3A_161 = arith.subi %add3A_158, %sub3A_160 : vector<16xi32>
    %max3A = arith.constant 0 : i32
    %max3A_162 = vector.broadcast %max3A : i32 to vector<16xi32>
    %max3A_163 = arith.maxsi %sub3A_161, %max3A_162 : vector<16xi32>
    %mul3A_164 = arith.constant 256 : i32
    %mul3A_165 = arith.muli %mul3A_164, %select_n3A_30 : i32
    %add3A_166 = arith.constant 256 : i32
    %add3A_167 = arith.addi %mul3A_165, %add3A_166 : i32
    %sub3A_168 = vector.broadcast %add3A_167 : i32 to vector<16xi32>
    %sub3A_169 = arith.subi %sub3A_168, %max3A_163 : vector<16xi32>
    %add3A_170 = arith.constant 16 : i32
    %add3A_171 = vector.broadcast %add3A_170 : i32 to vector<16xi32>
    %add3A_172 = arith.addi %add3A_171, %iota3A : vector<16xi32>
    %mul3A_173 = arith.constant 256 : i32
    %mul3A_174 = arith.muli %mul3A_173, %select_n3A_30 : i32
    %mul3A_175 = arith.constant 2 : i32
    %mul3A_176 = vector.broadcast %mul3A_175 : i32 to vector<16xi32>
    %mul3A_177 = arith.muli %mul3A_176, %add3A_172 : vector<16xi32>
    %add3A_178 = vector.broadcast %mul3A_174 : i32 to vector<16xi32>
    %add3A_179 = arith.addi %add3A_178, %mul3A_177 : vector<16xi32>
    %sub3A_180 = arith.constant 2 : i32
    %sub3A_181 = vector.broadcast %sub3A_180 : i32 to vector<16xi32>
    %sub3A_182 = arith.subi %add3A_179, %sub3A_181 : vector<16xi32>
    %max3A_183 = arith.constant 0 : i32
    %max3A_184 = vector.broadcast %max3A_183 : i32 to vector<16xi32>
    %max3A_185 = arith.maxsi %sub3A_182, %max3A_184 : vector<16xi32>
    %mul3A_186 = arith.constant 256 : i32
    %mul3A_187 = arith.muli %mul3A_186, %select_n3A_30 : i32
    %add3A_188 = arith.constant 256 : i32
    %add3A_189 = arith.addi %mul3A_187, %add3A_188 : i32
    %sub3A_190 = vector.broadcast %add3A_189 : i32 to vector<16xi32>
    %sub3A_191 = arith.subi %sub3A_190, %max3A_185 : vector<16xi32>
    %add3A_192 = arith.constant 32 : i32
    %add3A_193 = vector.broadcast %add3A_192 : i32 to vector<16xi32>
    %add3A_194 = arith.addi %add3A_193, %iota3A : vector<16xi32>
    %mul3A_195 = arith.constant 256 : i32
    %mul3A_196 = arith.muli %mul3A_195, %select_n3A_30 : i32
    %mul3A_197 = arith.constant 2 : i32
    %mul3A_198 = vector.broadcast %mul3A_197 : i32 to vector<16xi32>
    %mul3A_199 = arith.muli %mul3A_198, %add3A_194 : vector<16xi32>
    %add3A_200 = vector.broadcast %mul3A_196 : i32 to vector<16xi32>
    %add3A_201 = arith.addi %add3A_200, %mul3A_199 : vector<16xi32>
    %sub3A_202 = arith.constant 2 : i32
    %sub3A_203 = vector.broadcast %sub3A_202 : i32 to vector<16xi32>
    %sub3A_204 = arith.subi %add3A_201, %sub3A_203 : vector<16xi32>
    %max3A_205 = arith.constant 0 : i32
    %max3A_206 = vector.broadcast %max3A_205 : i32 to vector<16xi32>
    %max3A_207 = arith.maxsi %sub3A_204, %max3A_206 : vector<16xi32>
    %mul3A_208 = arith.constant 256 : i32
    %mul3A_209 = arith.muli %mul3A_208, %select_n3A_30 : i32
    %add3A_210 = arith.constant 256 : i32
    %add3A_211 = arith.addi %mul3A_209, %add3A_210 : i32
    %sub3A_212 = vector.broadcast %add3A_211 : i32 to vector<16xi32>
    %sub3A_213 = arith.subi %sub3A_212, %max3A_207 : vector<16xi32>
    %add3A_214 = arith.constant 48 : i32
    %add3A_215 = vector.broadcast %add3A_214 : i32 to vector<16xi32>
    %add3A_216 = arith.addi %add3A_215, %iota3A : vector<16xi32>
    %mul3A_217 = arith.constant 256 : i32
    %mul3A_218 = arith.muli %mul3A_217, %select_n3A_30 : i32
    %mul3A_219 = arith.constant 2 : i32
    %mul3A_220 = vector.broadcast %mul3A_219 : i32 to vector<16xi32>
    %mul3A_221 = arith.muli %mul3A_220, %add3A_216 : vector<16xi32>
    %add3A_222 = vector.broadcast %mul3A_218 : i32 to vector<16xi32>
    %add3A_223 = arith.addi %add3A_222, %mul3A_221 : vector<16xi32>
    %sub3A_224 = arith.constant 2 : i32
    %sub3A_225 = vector.broadcast %sub3A_224 : i32 to vector<16xi32>
    %sub3A_226 = arith.subi %add3A_223, %sub3A_225 : vector<16xi32>
    %max3A_227 = arith.constant 0 : i32
    %max3A_228 = vector.broadcast %max3A_227 : i32 to vector<16xi32>
    %max3A_229 = arith.maxsi %sub3A_226, %max3A_228 : vector<16xi32>
    %mul3A_230 = arith.constant 256 : i32
    %mul3A_231 = arith.muli %mul3A_230, %select_n3A_30 : i32
    %add3A_232 = arith.constant 256 : i32
    %add3A_233 = arith.addi %mul3A_231, %add3A_232 : i32
    %sub3A_234 = vector.broadcast %add3A_233 : i32 to vector<16xi32>
    %sub3A_235 = arith.subi %sub3A_234, %max3A_229 : vector<16xi32>
    %add3A_236 = arith.constant 64 : i32
    %add3A_237 = vector.broadcast %add3A_236 : i32 to vector<16xi32>
    %add3A_238 = arith.addi %add3A_237, %iota3A : vector<16xi32>
    %mul3A_239 = arith.constant 256 : i32
    %mul3A_240 = arith.muli %mul3A_239, %select_n3A_30 : i32
    %mul3A_241 = arith.constant 2 : i32
    %mul3A_242 = vector.broadcast %mul3A_241 : i32 to vector<16xi32>
    %mul3A_243 = arith.muli %mul3A_242, %add3A_238 : vector<16xi32>
    %add3A_244 = vector.broadcast %mul3A_240 : i32 to vector<16xi32>
    %add3A_245 = arith.addi %add3A_244, %mul3A_243 : vector<16xi32>
    %sub3A_246 = arith.constant 2 : i32
    %sub3A_247 = vector.broadcast %sub3A_246 : i32 to vector<16xi32>
    %sub3A_248 = arith.subi %add3A_245, %sub3A_247 : vector<16xi32>
    %max3A_249 = arith.constant 0 : i32
    %max3A_250 = vector.broadcast %max3A_249 : i32 to vector<16xi32>
    %max3A_251 = arith.maxsi %sub3A_248, %max3A_250 : vector<16xi32>
    %mul3A_252 = arith.constant 256 : i32
    %mul3A_253 = arith.muli %mul3A_252, %select_n3A_30 : i32
    %add3A_254 = arith.constant 256 : i32
    %add3A_255 = arith.addi %mul3A_253, %add3A_254 : i32
    %sub3A_256 = vector.broadcast %add3A_255 : i32 to vector<16xi32>
    %sub3A_257 = arith.subi %sub3A_256, %max3A_251 : vector<16xi32>
    %add3A_258 = arith.constant 80 : i32
    %add3A_259 = vector.broadcast %add3A_258 : i32 to vector<16xi32>
    %add3A_260 = arith.addi %add3A_259, %iota3A : vector<16xi32>
    %mul3A_261 = arith.constant 256 : i32
    %mul3A_262 = arith.muli %mul3A_261, %select_n3A_30 : i32
    %mul3A_263 = arith.constant 2 : i32
    %mul3A_264 = vector.broadcast %mul3A_263 : i32 to vector<16xi32>
    %mul3A_265 = arith.muli %mul3A_264, %add3A_260 : vector<16xi32>
    %add3A_266 = vector.broadcast %mul3A_262 : i32 to vector<16xi32>
    %add3A_267 = arith.addi %add3A_266, %mul3A_265 : vector<16xi32>
    %sub3A_268 = arith.constant 2 : i32
    %sub3A_269 = vector.broadcast %sub3A_268 : i32 to vector<16xi32>
    %sub3A_270 = arith.subi %add3A_267, %sub3A_269 : vector<16xi32>
    %max3A_271 = arith.constant 0 : i32
    %max3A_272 = vector.broadcast %max3A_271 : i32 to vector<16xi32>
    %max3A_273 = arith.maxsi %sub3A_270, %max3A_272 : vector<16xi32>
    %mul3A_274 = arith.constant 256 : i32
    %mul3A_275 = arith.muli %mul3A_274, %select_n3A_30 : i32
    %add3A_276 = arith.constant 256 : i32
    %add3A_277 = arith.addi %mul3A_275, %add3A_276 : i32
    %sub3A_278 = vector.broadcast %add3A_277 : i32 to vector<16xi32>
    %sub3A_279 = arith.subi %sub3A_278, %max3A_273 : vector<16xi32>
    %add3A_280 = arith.constant 96 : i32
    %add3A_281 = vector.broadcast %add3A_280 : i32 to vector<16xi32>
    %add3A_282 = arith.addi %add3A_281, %iota3A : vector<16xi32>
    %mul3A_283 = arith.constant 256 : i32
    %mul3A_284 = arith.muli %mul3A_283, %select_n3A_30 : i32
    %mul3A_285 = arith.constant 2 : i32
    %mul3A_286 = vector.broadcast %mul3A_285 : i32 to vector<16xi32>
    %mul3A_287 = arith.muli %mul3A_286, %add3A_282 : vector<16xi32>
    %add3A_288 = vector.broadcast %mul3A_284 : i32 to vector<16xi32>
    %add3A_289 = arith.addi %add3A_288, %mul3A_287 : vector<16xi32>
    %sub3A_290 = arith.constant 2 : i32
    %sub3A_291 = vector.broadcast %sub3A_290 : i32 to vector<16xi32>
    %sub3A_292 = arith.subi %add3A_289, %sub3A_291 : vector<16xi32>
    %max3A_293 = arith.constant 0 : i32
    %max3A_294 = vector.broadcast %max3A_293 : i32 to vector<16xi32>
    %max3A_295 = arith.maxsi %sub3A_292, %max3A_294 : vector<16xi32>
    %mul3A_296 = arith.constant 256 : i32
    %mul3A_297 = arith.muli %mul3A_296, %select_n3A_30 : i32
    %add3A_298 = arith.constant 256 : i32
    %add3A_299 = arith.addi %mul3A_297, %add3A_298 : i32
    %sub3A_300 = vector.broadcast %add3A_299 : i32 to vector<16xi32>
    %sub3A_301 = arith.subi %sub3A_300, %max3A_295 : vector<16xi32>
    %add3A_302 = arith.constant 112 : i32
    %add3A_303 = vector.broadcast %add3A_302 : i32 to vector<16xi32>
    %add3A_304 = arith.addi %add3A_303, %iota3A : vector<16xi32>
    %mul3A_305 = arith.constant 256 : i32
    %mul3A_306 = arith.muli %mul3A_305, %select_n3A_30 : i32
    %mul3A_307 = arith.constant 2 : i32
    %mul3A_308 = vector.broadcast %mul3A_307 : i32 to vector<16xi32>
    %mul3A_309 = arith.muli %mul3A_308, %add3A_304 : vector<16xi32>
    %add3A_310 = vector.broadcast %mul3A_306 : i32 to vector<16xi32>
    %add3A_311 = arith.addi %add3A_310, %mul3A_309 : vector<16xi32>
    %sub3A_312 = arith.constant 2 : i32
    %sub3A_313 = vector.broadcast %sub3A_312 : i32 to vector<16xi32>
    %sub3A_314 = arith.subi %add3A_311, %sub3A_313 : vector<16xi32>
    %max3A_315 = arith.constant 0 : i32
    %max3A_316 = vector.broadcast %max3A_315 : i32 to vector<16xi32>
    %max3A_317 = arith.maxsi %sub3A_314, %max3A_316 : vector<16xi32>
    %mul3A_318 = arith.constant 256 : i32
    %mul3A_319 = arith.muli %mul3A_318, %select_n3A_30 : i32
    %add3A_320 = arith.constant 256 : i32
    %add3A_321 = arith.addi %mul3A_319, %add3A_320 : i32
    %sub3A_322 = vector.broadcast %add3A_321 : i32 to vector<16xi32>
    %sub3A_323 = arith.subi %sub3A_322, %max3A_317 : vector<16xi32>
    %scan3A = arith.constant 0 : i32
    %scan3A_324 = arith.constant 16 : i32
    %scan3A_325 = arith.addi %scan3A, %scan3A_324 : i32
    %scan3A_326 = arith.constant 1 : i32
    scf.for %scan3A_346 = %scan3A to %scan3A_325 step %scan3A_326  : i32 {
      %mul3A_347 = arith.constant 2 : i32
      %mul3A_348 = arith.muli %mul3A_347, %scan3A_346 : i32
      %add3A_349 = arith.constant 0 : i32
      %add3A_350 = arith.addi %mul3A_348, %add3A_349 : i32
      %lt3A_351 = arith.constant 31 : i32
      %lt3A_352 = arith.cmpi slt, %add3A_350, %lt3A_351 : i32
      %convert_element_type3A = arith.extui %lt3A_352 : i1 to i32
      %cond3A = arith.constant 0 : i32
      %cond3A_353 = arith.cmpi ne, %convert_element_type3A, %cond3A : i32
      scf.if %cond3A_353 {
        %add3A_408 = arith.constant 4 : i32
        %add3A_409 = arith.addi %add3A_350, %add3A_408 : i32
        %mul3A_410 = arith.constant 128 : i32
        %mul3A_411 = arith.muli %mul3A_410, %add3A_409 : i32
        %add3A_412 = arith.addi %sub3A_34, %mul3A_411 : i32
        %add3A_413 = arith.constant 8192 : i32
        %add3A_414 = arith.addi %add3A_412, %add3A_413 : i32
        %rem3A_415 = arith.constant 4096 : i32
        %rem3A_416 = arith.remsi %add3A_414, %rem3A_415 : i32
        %mul3A_417 = arith.constant 128 : i32
        %mul3A_418 = arith.muli %select_n3A_30, %mul3A_417 : i32
        %rem3A_419 = arith.constant 5 : i32
        %rem3A_420 = arith.remsi %add3A_409, %rem3A_419 : i32
        %mul3A_421 = arith.constant 128 : i32
        %mul3A_422 = arith.muli %mul3A_421, %rem3A_420 : i32
        %dma_start3A_423 = arith.constant 0 : i32
        %dma_start3A_424 = tpu.memref_slice %arg4[%mul3A_422, %dma_start3A_423] : memref<640x128xf32, #tpu.memory_space<vmem>> -> memref<128x128xf32, #tpu.memory_space<vmem>>
        %dma_start3A_425 = tpu.memref_slice %arg2[%select_n3A, %rem3A_416, %mul3A_418] : memref<4x4096x1024xf32, #tpu.memory_space<hbm>> -> memref<1x128x128xf32, #tpu.memory_space<hbm>>
        %dma_start3A_426 = tpu.memref_squeeze %dma_start3A_425 : memref<1x128x128xf32, #tpu.memory_space<hbm>> -> memref<128x128xf32, #tpu.memory_space<hbm>>
        %dma_start3A_427 = arith.constant 0 : i32
        %dma_start3A_428 = tpu.memref_slice %arg4[%mul3A_422, %dma_start3A_427] : memref<640x128xf32, #tpu.memory_space<vmem>> -> memref<128x128xf32, #tpu.memory_space<vmem>>
        %dma_start3A_429 = tpu.memref_slice %arg2[%select_n3A, %rem3A_416, %mul3A_418] : memref<4x4096x1024xf32, #tpu.memory_space<hbm>> -> memref<1x128x128xf32, #tpu.memory_space<hbm>>
        %dma_start3A_430 = tpu.memref_squeeze %dma_start3A_429 : memref<1x128x128xf32, #tpu.memory_space<hbm>> -> memref<128x128xf32, #tpu.memory_space<hbm>>
        tpu.enqueue_dma source(%dma_start3A_430 : memref<128x128xf32, #tpu.memory_space<hbm>>) target(%dma_start3A_428 : memref<128x128xf32, #tpu.memory_space<vmem>>) target_semaphore(%arg7 : memref<!tpu.dma_semaphore, #tpu.memory_space<semaphore_mem>>)
      } else {
      }
      %ge3A = arith.constant 1 : i32
      %ge3A_354 = arith.cmpi sge, %scan3A_346, %ge3A : i32
      %convert_element_type3A_355 = arith.extui %ge3A_354 : i1 to i32
      %cond3A_356 = arith.constant 0 : i32
      %cond3A_357 = arith.cmpi ne, %convert_element_type3A_355, %cond3A_356 : i32
      scf.if %cond3A_357 {
        %dma_wait3A_408 = arith.constant 0 : i32
        %dma_wait3A_409 = arith.constant 0 : i32
        %dma_wait3A_410 = arith.constant 0 : i32
        %dma_wait3A_411 = tpu.memref_slice %arg3[%dma_wait3A_408, %dma_wait3A_409, %dma_wait3A_410] : memref<4x4096x1024xf32, #tpu.memory_space<hbm>> -> memref<1x128x128xf32, #tpu.memory_space<hbm>>
        %dma_wait3A_412 = tpu.memref_squeeze %dma_wait3A_411 : memref<1x128x128xf32, #tpu.memory_space<hbm>> -> memref<128x128xf32, #tpu.memory_space<hbm>>
        %dma_wait3A_413 = arith.constant 0 : i32
        %dma_wait3A_414 = arith.constant 0 : i32
        %dma_wait3A_415 = tpu.memref_slice %arg3[%dma_wait3A_408, %dma_wait3A_413, %dma_wait3A_414] : memref<4x4096x1024xf32, #tpu.memory_space<hbm>> -> memref<1x128x128xf32, #tpu.memory_space<hbm>>
        %dma_wait3A_416 = tpu.memref_squeeze %dma_wait3A_415 : memref<1x128x128xf32, #tpu.memory_space<hbm>> -> memref<128x128xf32, #tpu.memory_space<hbm>>
        tpu.wait_dma2 semaphore(%arg8 : memref<!tpu.dma_semaphore, #tpu.memory_space<semaphore_mem>>) src(%arg5 : memref<128x128xf32, #tpu.memory_space<vmem>>) dst(%dma_wait3A_416 : memref<128x128xf32, #tpu.memory_space<hbm>>)
      } else {
      }
      %scan3A_358 = arith.constant 0 : i32
      %scan3A_359 = arith.constant 64 : i32
      %scan3A_360 = arith.addi %scan3A_358, %scan3A_359 : i32
      %scan3A_361 = arith.constant 1 : i32
      scf.for %scan3A_408 = %scan3A_358 to %scan3A_360 step %scan3A_361  : i32 {
        %mul3A_409 = arith.constant 2 : i32
        %mul3A_410 = arith.muli %mul3A_409, %scan3A_408 : i32
        %mul3A_411 = arith.constant 128 : i32
        %mul3A_412 = arith.muli %mul3A_411, %add3A_350 : i32
        %add3A_413 = arith.addi %mul3A_412, %mul3A_410 : i32
        %rem3A_414 = arith.constant 640 : i32
        %rem3A_415 = arith.remsi %add3A_413, %rem3A_414 : i32
        %add3A_416 = vector.broadcast %rem3A_415 : i32 to vector<16xi32>
        %add3A_417 = arith.addi %sub3A_169, %add3A_416 : vector<16xi32>
        %ge3A_418 = arith.constant 640 : i32
        %ge3A_419 = vector.broadcast %ge3A_418 : i32 to vector<16xi32>
        %ge3A_420 = arith.cmpi sge, %add3A_417, %ge3A_419 : vector<16xi32>
        %sub3A_421 = arith.constant 640 : i32
        %sub3A_422 = vector.broadcast %sub3A_421 : i32 to vector<16xi32>
        %sub3A_423 = arith.subi %add3A_417, %sub3A_422 : vector<16xi32>
        %select_n3A_424 = arith.select %ge3A_420, %sub3A_423, %add3A_417 : vector<16xi1>, vector<16xi32>
        %gather3A = tpu.vector_load_idx %arg4[%select_n3A_424, %add3A_151] : memref<640x128xf32, #tpu.memory_space<vmem>>[vector<16xi32>, vector<16xi32>], vector<16xf32>,
        %add3A_425 = arith.constant 1 : i32
        %add3A_426 = vector.broadcast %add3A_425 : i32 to vector<16xi32>
        %add3A_427 = arith.addi %select_n3A_424, %add3A_426 : vector<16xi32>
        %gather3A_428 = tpu.vector_load_idx %arg4[%add3A_427, %add3A_151] : memref<640x128xf32, #tpu.memory_space<vmem>>[vector<16xi32>, vector<16xi32>], vector<16xf32>,
        %min3A = arith.minimumf %gather3A, %gather3A_428 : vector<16xf32>
        %swap3A = arith.index_cast %mul3A_410 : i32 to index
        %swap3A_429 = arith.constant 0 : index
        %swap3A_430 = tpu.vector_load %arg5[%swap3A, %swap3A_429] {strides = array<i32>} : memref<128x128xf32, #tpu.memory_space<vmem>>, vector<16xf32>,
        tpu.vector_store %arg5[%swap3A, %swap3A_429], %min3A {strides = array<i32>} : memref<128x128xf32, #tpu.memory_space<vmem>>, vector<16xf32>,
        %max3A_431 = arith.maximumf %gather3A, %gather3A_428 : vector<16xf32>
        %add3A_432 = arith.constant 1 : i32
        %add3A_433 = arith.addi %mul3A_410, %add3A_432 : i32
        %swap3A_434 = arith.index_cast %add3A_433 : i32 to index
        %swap3A_435 = arith.constant 0 : index
        %swap3A_436 = tpu.vector_load %arg5[%swap3A_434, %swap3A_435] {strides = array<i32>} : memref<128x128xf32, #tpu.memory_space<vmem>>, vector<16xf32>,
        tpu.vector_store %arg5[%swap3A_434, %swap3A_435], %max3A_431 {strides = array<i32>} : memref<128x128xf32, #tpu.memory_space<vmem>>, vector<16xf32>,
        %add3A_437 = vector.broadcast %rem3A_415 : i32 to vector<16xi32>
        %add3A_438 = arith.addi %sub3A_191, %add3A_437 : vector<16xi32>
        %ge3A_439 = arith.constant 640 : i32
        %ge3A_440 = vector.broadcast %ge3A_439 : i32 to vector<16xi32>
        %ge3A_441 = arith.cmpi sge, %add3A_438, %ge3A_440 : vector<16xi32>
        %sub3A_442 = arith.constant 640 : i32
        %sub3A_443 = vector.broadcast %sub3A_442 : i32 to vector<16xi32>
        %sub3A_444 = arith.subi %add3A_438, %sub3A_443 : vector<16xi32>
        %select_n3A_445 = arith.select %ge3A_441, %sub3A_444, %add3A_438 : vector<16xi1>, vector<16xi32>
        %gather3A_446 = tpu.vector_load_idx %arg4[%select_n3A_445, %add3A_172] : memref<640x128xf32, #tpu.memory_space<vmem>>[vector<16xi32>, vector<16xi32>], vector<16xf32>,
        %add3A_447 = arith.constant 1 : i32
        %add3A_448 = vector.broadcast %add3A_447 : i32 to vector<16xi32>
        %add3A_449 = arith.addi %select_n3A_445, %add3A_448 : vector<16xi32>
        %gather3A_450 = tpu.vector_load_idx %arg4[%add3A_449, %add3A_172] : memref<640x128xf32, #tpu.memory_space<vmem>>[vector<16xi32>, vector<16xi32>], vector<16xf32>,
        %min3A_451 = arith.minimumf %gather3A_446, %gather3A_450 : vector<16xf32>
        %swap3A_452 = arith.index_cast %mul3A_410 : i32 to index
        %swap3A_453 = arith.constant 16 : index
        %swap3A_454 = tpu.vector_load %arg5[%swap3A_452, %swap3A_453] {strides = array<i32>} : memref<128x128xf32, #tpu.memory_space<vmem>>, vector<16xf32>,
        tpu.vector_store %arg5[%swap3A_452, %swap3A_453], %min3A_451 {strides = array<i32>} : memref<128x128xf32, #tpu.memory_space<vmem>>, vector<16xf32>,
        %max3A_455 = arith.maximumf %gather3A_446, %gather3A_450 : vector<16xf32>
        %add3A_456 = arith.constant 1 : i32
        %add3A_457 = arith.addi %mul3A_410, %add3A_456 : i32
        %swap3A_458 = arith.index_cast %add3A_457 : i32 to index
        %swap3A_459 = arith.constant 16 : index
        %swap3A_460 = tpu.vector_load %arg5[%swap3A_458, %swap3A_459] {strides = array<i32>} : memref<128x128xf32, #tpu.memory_space<vmem>>, vector<16xf32>,
        tpu.vector_store %arg5[%swap3A_458, %swap3A_459], %max3A_455 {strides = array<i32>} : memref<128x128xf32, #tpu.memory_space<vmem>>, vector<16xf32>,
        %add3A_461 = vector.broadcast %rem3A_415 : i32 to vector<16xi32>
        %add3A_462 = arith.addi %sub3A_213, %add3A_461 : vector<16xi32>
        %ge3A_463 = arith.constant 640 : i32
        %ge3A_464 = vector.broadcast %ge3A_463 : i32 to vector<16xi32>
        %ge3A_465 = arith.cmpi sge, %add3A_462, %ge3A_464 : vector<16xi32>
        %sub3A_466 = arith.constant 640 : i32
        %sub3A_467 = vector.broadcast %sub3A_466 : i32 to vector<16xi32>
        %sub3A_468 = arith.subi %add3A_462, %sub3A_467 : vector<16xi32>
        %select_n3A_469 = arith.select %ge3A_465, %sub3A_468, %add3A_462 : vector<16xi1>, vector<16xi32>
        %gather3A_470 = tpu.vector_load_idx %arg4[%select_n3A_469, %add3A_194] : memref<640x128xf32, #tpu.memory_space<vmem>>[vector<16xi32>, vector<16xi32>], vector<16xf32>,
        %add3A_471 = arith.constant 1 : i32
        %add3A_472 = vector.broadcast %add3A_471 : i32 to vector<16xi32>
        %add3A_473 = arith.addi %select_n3A_469, %add3A_472 : vector<16xi32>
        %gather3A_474 = tpu.vector_load_idx %arg4[%add3A_473, %add3A_194] : memref<640x128xf32, #tpu.memory_space<vmem>>[vector<16xi32>, vector<16xi32>], vector<16xf32>,
        %min3A_475 = arith.minimumf %gather3A_470, %gather3A_474 : vector<16xf32>
        %swap3A_476 = arith.index_cast %mul3A_410 : i32 to index
        %swap3A_477 = arith.constant 32 : index
        %swap3A_478 = tpu.vector_load %arg5[%swap3A_476, %swap3A_477] {strides = array<i32>} : memref<128x128xf32, #tpu.memory_space<vmem>>, vector<16xf32>,
        tpu.vector_store %arg5[%swap3A_476, %swap3A_477], %min3A_475 {strides = array<i32>} : memref<128x128xf32, #tpu.memory_space<vmem>>, vector<16xf32>,
        %max3A_479 = arith.maximumf %gather3A_470, %gather3A_474 : vector<16xf32>
        %add3A_480 = arith.constant 1 : i32
        %add3A_481 = arith.addi %mul3A_410, %add3A_480 : i32
        %swap3A_482 = arith.index_cast %add3A_481 : i32 to index
        %swap3A_483 = arith.constant 32 : index
        %swap3A_484 = tpu.vector_load %arg5[%swap3A_482, %swap3A_483] {strides = array<i32>} : memref<128x128xf32, #tpu.memory_space<vmem>>, vector<16xf32>,
        tpu.vector_store %arg5[%swap3A_482, %swap3A_483], %max3A_479 {strides = array<i32>} : memref<128x128xf32, #tpu.memory_space<vmem>>, vector<16xf32>,
        %add3A_485 = vector.broadcast %rem3A_415 : i32 to vector<16xi32>
        %add3A_486 = arith.addi %sub3A_235, %add3A_485 : vector<16xi32>
        %ge3A_487 = arith.constant 640 : i32
        %ge3A_488 = vector.broadcast %ge3A_487 : i32 to vector<16xi32>
        %ge3A_489 = arith.cmpi sge, %add3A_486, %ge3A_488 : vector<16xi32>
        %sub3A_490 = arith.constant 640 : i32
        %sub3A_491 = vector.broadcast %sub3A_490 : i32 to vector<16xi32>
        %sub3A_492 = arith.subi %add3A_486, %sub3A_491 : vector<16xi32>
        %select_n3A_493 = arith.select %ge3A_489, %sub3A_492, %add3A_486 : vector<16xi1>, vector<16xi32>
        %gather3A_494 = tpu.vector_load_idx %arg4[%select_n3A_493, %add3A_216] : memref<640x128xf32, #tpu.memory_space<vmem>>[vector<16xi32>, vector<16xi32>], vector<16xf32>,
        %add3A_495 = arith.constant 1 : i32
        %add3A_496 = vector.broadcast %add3A_495 : i32 to vector<16xi32>
        %add3A_497 = arith.addi %select_n3A_493, %add3A_496 : vector<16xi32>
        %gather3A_498 = tpu.vector_load_idx %arg4[%add3A_497, %add3A_216] : memref<640x128xf32, #tpu.memory_space<vmem>>[vector<16xi32>, vector<16xi32>], vector<16xf32>,
        %min3A_499 = arith.minimumf %gather3A_494, %gather3A_498 : vector<16xf32>
        %swap3A_500 = arith.index_cast %mul3A_410 : i32 to index
        %swap3A_501 = arith.constant 48 : index
        %swap3A_502 = tpu.vector_load %arg5[%swap3A_500, %swap3A_501] {strides = array<i32>} : memref<128x128xf32, #tpu.memory_space<vmem>>, vector<16xf32>,
        tpu.vector_store %arg5[%swap3A_500, %swap3A_501], %min3A_499 {strides = array<i32>} : memref<128x128xf32, #tpu.memory_space<vmem>>, vector<16xf32>,
        %max3A_503 = arith.maximumf %gather3A_494, %gather3A_498 : vector<16xf32>
        %add3A_504 = arith.constant 1 : i32
        %add3A_505 = arith.addi %mul3A_410, %add3A_504 : i32
        %swap3A_506 = arith.index_cast %add3A_505 : i32 to index
        %swap3A_507 = arith.constant 48 : index
        %swap3A_508 = tpu.vector_load %arg5[%swap3A_506, %swap3A_507] {strides = array<i32>} : memref<128x128xf32, #tpu.memory_space<vmem>>, vector<16xf32>,
        tpu.vector_store %arg5[%swap3A_506, %swap3A_507], %max3A_503 {strides = array<i32>} : memref<128x128xf32, #tpu.memory_space<vmem>>, vector<16xf32>,
        %add3A_509 = vector.broadcast %rem3A_415 : i32 to vector<16xi32>
        %add3A_510 = arith.addi %sub3A_257, %add3A_509 : vector<16xi32>
        %ge3A_511 = arith.constant 640 : i32
        %ge3A_512 = vector.broadcast %ge3A_511 : i32 to vector<16xi32>
        %ge3A_513 = arith.cmpi sge, %add3A_510, %ge3A_512 : vector<16xi32>
        %sub3A_514 = arith.constant 640 : i32
        %sub3A_515 = vector.broadcast %sub3A_514 : i32 to vector<16xi32>
        %sub3A_516 = arith.subi %add3A_510, %sub3A_515 : vector<16xi32>
        %select_n3A_517 = arith.select %ge3A_513, %sub3A_516, %add3A_510 : vector<16xi1>, vector<16xi32>
        %gather3A_518 = tpu.vector_load_idx %arg4[%select_n3A_517, %add3A_238] : memref<640x128xf32, #tpu.memory_space<vmem>>[vector<16xi32>, vector<16xi32>], vector<16xf32>,
        %add3A_519 = arith.constant 1 : i32
        %add3A_520 = vector.broadcast %add3A_519 : i32 to vector<16xi32>
        %add3A_521 = arith.addi %select_n3A_517, %add3A_520 : vector<16xi32>
        %gather3A_522 = tpu.vector_load_idx %arg4[%add3A_521, %add3A_238] : memref<640x128xf32, #tpu.memory_space<vmem>>[vector<16xi32>, vector<16xi32>], vector<16xf32>,
        %min3A_523 = arith.minimumf %gather3A_518, %gather3A_522 : vector<16xf32>
        %swap3A_524 = arith.index_cast %mul3A_410 : i32 to index
        %swap3A_525 = arith.constant 64 : index
        %swap3A_526 = tpu.vector_load %arg5[%swap3A_524, %swap3A_525] {strides = array<i32>} : memref<128x128xf32, #tpu.memory_space<vmem>>, vector<16xf32>,
        tpu.vector_store %arg5[%swap3A_524, %swap3A_525], %min3A_523 {strides = array<i32>} : memref<128x128xf32, #tpu.memory_space<vmem>>, vector<16xf32>,
        %max3A_527 = arith.maximumf %gather3A_518, %gather3A_522 : vector<16xf32>
        %add3A_528 = arith.constant 1 : i32
        %add3A_529 = arith.addi %mul3A_410, %add3A_528 : i32
        %swap3A_530 = arith.index_cast %add3A_529 : i32 to index
        %swap3A_531 = arith.constant 64 : index
        %swap3A_532 = tpu.vector_load %arg5[%swap3A_530, %swap3A_531] {strides = array<i32>} : memref<128x128xf32, #tpu.memory_space<vmem>>, vector<16xf32>,
        tpu.vector_store %arg5[%swap3A_530, %swap3A_531], %max3A_527 {strides = array<i32>} : memref<128x128xf32, #tpu.memory_space<vmem>>, vector<16xf32>,
        %add3A_533 = vector.broadcast %rem3A_415 : i32 to vector<16xi32>
        %add3A_534 = arith.addi %sub3A_279, %add3A_533 : vector<16xi32>
        %ge3A_535 = arith.constant 640 : i32
        %ge3A_536 = vector.broadcast %ge3A_535 : i32 to vector<16xi32>
        %ge3A_537 = arith.cmpi sge, %add3A_534, %ge3A_536 : vector<16xi32>
        %sub3A_538 = arith.constant 640 : i32
        %sub3A_539 = vector.broadcast %sub3A_538 : i32 to vector<16xi32>
        %sub3A_540 = arith.subi %add3A_534, %sub3A_539 : vector<16xi32>
        %select_n3A_541 = arith.select %ge3A_537, %sub3A_540, %add3A_534 : vector<16xi1>, vector<16xi32>
        %gather3A_542 = tpu.vector_load_idx %arg4[%select_n3A_541, %add3A_260] : memref<640x128xf32, #tpu.memory_space<vmem>>[vector<16xi32>, vector<16xi32>], vector<16xf32>,
        %add3A_543 = arith.constant 1 : i32
        %add3A_544 = vector.broadcast %add3A_543 : i32 to vector<16xi32>
        %add3A_545 = arith.addi %select_n3A_541, %add3A_544 : vector<16xi32>
        %gather3A_546 = tpu.vector_load_idx %arg4[%add3A_545, %add3A_260] : memref<640x128xf32, #tpu.memory_space<vmem>>[vector<16xi32>, vector<16xi32>], vector<16xf32>,
        %min3A_547 = arith.minimumf %gather3A_542, %gather3A_546 : vector<16xf32>
        %swap3A_548 = arith.index_cast %mul3A_410 : i32 to index
        %swap3A_549 = arith.constant 80 : index
        %swap3A_550 = tpu.vector_load %arg5[%swap3A_548, %swap3A_549] {strides = array<i32>} : memref<128x128xf32, #tpu.memory_space<vmem>>, vector<16xf32>,
        tpu.vector_store %arg5[%swap3A_548, %swap3A_549], %min3A_547 {strides = array<i32>} : memref<128x128xf32, #tpu.memory_space<vmem>>, vector<16xf32>,
        %max3A_551 = arith.maximumf %gather3A_542, %gather3A_546 : vector<16xf32>
        %add3A_552 = arith.constant 1 : i32
        %add3A_553 = arith.addi %mul3A_410, %add3A_552 : i32
        %swap3A_554 = arith.index_cast %add3A_553 : i32 to index
        %swap3A_555 = arith.constant 80 : index
        %swap3A_556 = tpu.vector_load %arg5[%swap3A_554, %swap3A_555] {strides = array<i32>} : memref<128x128xf32, #tpu.memory_space<vmem>>, vector<16xf32>,
        tpu.vector_store %arg5[%swap3A_554, %swap3A_555], %max3A_551 {strides = array<i32>} : memref<128x128xf32, #tpu.memory_space<vmem>>, vector<16xf32>,
        %add3A_557 = vector.broadcast %rem3A_415 : i32 to vector<16xi32>
        %add3A_558 = arith.addi %sub3A_301, %add3A_557 : vector<16xi32>
        %ge3A_559 = arith.constant 640 : i32
        %ge3A_560 = vector.broadcast %ge3A_559 : i32 to vector<16xi32>
        %ge3A_561 = arith.cmpi sge, %add3A_558, %ge3A_560 : vector<16xi32>
        %sub3A_562 = arith.constant 640 : i32
        %sub3A_563 = vector.broadcast %sub3A_562 : i32 to vector<16xi32>
        %sub3A_564 = arith.subi %add3A_558, %sub3A_563 : vector<16xi32>
        %select_n3A_565 = arith.select %ge3A_561, %sub3A_564, %add3A_558 : vector<16xi1>, vector<16xi32>
        %gather3A_566 = tpu.vector_load_idx %arg4[%select_n3A_565, %add3A_282] : memref<640x128xf32, #tpu.memory_space<vmem>>[vector<16xi32>, vector<16xi32>], vector<16xf32>,
        %add3A_567 = arith.constant 1 : i32
        %add3A_568 = vector.broadcast %add3A_567 : i32 to vector<16xi32>
        %add3A_569 = arith.addi %select_n3A_565, %add3A_568 : vector<16xi32>
        %gather3A_570 = tpu.vector_load_idx %arg4[%add3A_569, %add3A_282] : memref<640x128xf32, #tpu.memory_space<vmem>>[vector<16xi32>, vector<16xi32>], vector<16xf32>,
        %min3A_571 = arith.minimumf %gather3A_566, %gather3A_570 : vector<16xf32>
        %swap3A_572 = arith.index_cast %mul3A_410 : i32 to index
        %swap3A_573 = arith.constant 96 : index
        %swap3A_574 = tpu.vector_load %arg5[%swap3A_572, %swap3A_573] {strides = array<i32>} : memref<128x128xf32, #tpu.memory_space<vmem>>, vector<16xf32>,
        tpu.vector_store %arg5[%swap3A_572, %swap3A_573], %min3A_571 {strides = array<i32>} : memref<128x128xf32, #tpu.memory_space<vmem>>, vector<16xf32>,
        %max3A_575 = arith.maximumf %gather3A_566, %gather3A_570 : vector<16xf32>
        %add3A_576 = arith.constant 1 : i32
        %add3A_577 = arith.addi %mul3A_410, %add3A_576 : i32
        %swap3A_578 = arith.index_cast %add3A_577 : i32 to index
        %swap3A_579 = arith.constant 96 : index
        %swap3A_580 = tpu.vector_load %arg5[%swap3A_578, %swap3A_579] {strides = array<i32>} : memref<128x128xf32, #tpu.memory_space<vmem>>, vector<16xf32>,
        tpu.vector_store %arg5[%swap3A_578, %swap3A_579], %max3A_575 {strides = array<i32>} : memref<128x128xf32, #tpu.memory_space<vmem>>, vector<16xf32>,
        %add3A_581 = vector.broadcast %rem3A_415 : i32 to vector<16xi32>
        %add3A_582 = arith.addi %sub3A_323, %add3A_581 : vector<16xi32>
        %ge3A_583 = arith.constant 640 : i32
        %ge3A_584 = vector.broadcast %ge3A_583 : i32 to vector<16xi32>
        %ge3A_585 = arith.cmpi sge, %add3A_582, %ge3A_584 : vector<16xi32>
        %sub3A_586 = arith.constant 640 : i32
        %sub3A_587 = vector.broadcast %sub3A_586 : i32 to vector<16xi32>
        %sub3A_588 = arith.subi %add3A_582, %sub3A_587 : vector<16xi32>
        %select_n3A_589 = arith.select %ge3A_585, %sub3A_588, %add3A_582 : vector<16xi1>, vector<16xi32>
        %gather3A_590 = tpu.vector_load_idx %arg4[%select_n3A_589, %add3A_304] : memref<640x128xf32, #tpu.memory_space<vmem>>[vector<16xi32>, vector<16xi32>], vector<16xf32>,
        %add3A_591 = arith.constant 1 : i32
        %add3A_592 = vector.broadcast %add3A_591 : i32 to vector<16xi32>
        %add3A_593 = arith.addi %select_n3A_589, %add3A_592 : vector<16xi32>
        %gather3A_594 = tpu.vector_load_idx %arg4[%add3A_593, %add3A_304] : memref<640x128xf32, #tpu.memory_space<vmem>>[vector<16xi32>, vector<16xi32>], vector<16xf32>,
        %min3A_595 = arith.minimumf %gather3A_590, %gather3A_594 : vector<16xf32>
        %swap3A_596 = arith.index_cast %mul3A_410 : i32 to index
        %swap3A_597 = arith.constant 112 : index
        %swap3A_598 = tpu.vector_load %arg5[%swap3A_596, %swap3A_597] {strides = array<i32>} : memref<128x128xf32, #tpu.memory_space<vmem>>, vector<16xf32>,
        tpu.vector_store %arg5[%swap3A_596, %swap3A_597], %min3A_595 {strides = array<i32>} : memref<128x128xf32, #tpu.memory_space<vmem>>, vector<16xf32>,
        %max3A_599 = arith.maximumf %gather3A_590, %gather3A_594 : vector<16xf32>
        %add3A_600 = arith.constant 1 : i32
        %add3A_601 = arith.addi %mul3A_410, %add3A_600 : i32
        %swap3A_602 = arith.index_cast %add3A_601 : i32 to index
        %swap3A_603 = arith.constant 112 : index
        %swap3A_604 = tpu.vector_load %arg5[%swap3A_602, %swap3A_603] {strides = array<i32>} : memref<128x128xf32, #tpu.memory_space<vmem>>, vector<16xf32>,
        tpu.vector_store %arg5[%swap3A_602, %swap3A_603], %max3A_599 {strides = array<i32>} : memref<128x128xf32, #tpu.memory_space<vmem>>, vector<16xf32>,
      }
      %scan3A_362 = arith.constant 64 : i32
      %mul3A_363 = arith.constant 128 : i32
      %mul3A_364 = arith.muli %mul3A_363, %add3A_350 : i32
      %mul3A_365 = arith.constant 128 : i32
      %mul3A_366 = arith.muli %select_n3A_30, %mul3A_365 : i32
      %dma_start3A_367 = tpu.memref_slice %arg3[%select_n3A, %mul3A_364, %mul3A_366] : memref<4x4096x1024xf32, #tpu.memory_space<hbm>> -> memref<1x128x128xf32, #tpu.memory_space<hbm>>
      %dma_start3A_368 = tpu.memref_squeeze %dma_start3A_367 : memref<1x128x128xf32, #tpu.memory_space<hbm>> -> memref<128x128xf32, #tpu.memory_space<hbm>>
      %dma_start3A_369 = tpu.memref_slice %arg3[%select_n3A, %mul3A_364, %mul3A_366] : memref<4x4096x1024xf32, #tpu.memory_space<hbm>> -> memref<1x128x128xf32, #tpu.memory_space<hbm>>
      %dma_start3A_370 = tpu.memref_squeeze %dma_start3A_369 : memref<1x128x128xf32, #tpu.memory_space<hbm>> -> memref<128x128xf32, #tpu.memory_space<hbm>>
      tpu.enqueue_dma source(%arg5 : memref<128x128xf32, #tpu.memory_space<vmem>>) target(%dma_start3A_370 : memref<128x128xf32, #tpu.memory_space<hbm>>) target_semaphore(%arg8 : memref<!tpu.dma_semaphore, #tpu.memory_space<semaphore_mem>>)
      %lt3A_371 = arith.constant 31 : i32
      %lt3A_372 = arith.cmpi slt, %add3A_350, %lt3A_371 : i32
      %convert_element_type3A_373 = arith.extui %lt3A_372 : i1 to i32
      %cond3A_374 = arith.constant 0 : i32
      %cond3A_375 = arith.cmpi ne, %convert_element_type3A_373, %cond3A_374 : i32
      scf.if %cond3A_375 {
        %dma_wait3A_408 = arith.constant 0 : i32
        %dma_wait3A_409 = arith.constant 0 : i32
        %dma_wait3A_410 = arith.constant 0 : i32
        %dma_wait3A_411 = tpu.memref_slice %arg4[%dma_wait3A_409, %dma_wait3A_410] : memref<640x128xf32, #tpu.memory_space<vmem>> -> memref<128x128xf32, #tpu.memory_space<vmem>>
        %dma_wait3A_412 = arith.constant 0 : i32
        %dma_wait3A_413 = arith.constant 0 : i32
        %dma_wait3A_414 = tpu.memref_slice %arg2[%dma_wait3A_408, %dma_wait3A_412, %dma_wait3A_413] : memref<4x4096x1024xf32, #tpu.memory_space<hbm>> -> memref<1x128x128xf32, #tpu.memory_space<hbm>>
        %dma_wait3A_415 = tpu.memref_squeeze %dma_wait3A_414 : memref<1x128x128xf32, #tpu.memory_space<hbm>> -> memref<128x128xf32, #tpu.memory_space<hbm>>
        %dma_wait3A_416 = arith.constant 0 : i32
        %dma_wait3A_417 = arith.constant 0 : i32
        %dma_wait3A_418 = tpu.memref_slice %arg4[%dma_wait3A_416, %dma_wait3A_417] : memref<640x128xf32, #tpu.memory_space<vmem>> -> memref<128x128xf32, #tpu.memory_space<vmem>>
        %dma_wait3A_419 = arith.constant 0 : i32
        %dma_wait3A_420 = arith.constant 0 : i32
        %dma_wait3A_421 = tpu.memref_slice %arg2[%dma_wait3A_408, %dma_wait3A_419, %dma_wait3A_420] : memref<4x4096x1024xf32, #tpu.memory_space<hbm>> -> memref<1x128x128xf32, #tpu.memory_space<hbm>>
        %dma_wait3A_422 = tpu.memref_squeeze %dma_wait3A_421 : memref<1x128x128xf32, #tpu.memory_space<hbm>> -> memref<128x128xf32, #tpu.memory_space<hbm>>
        tpu.wait_dma2 semaphore(%arg7 : memref<!tpu.dma_semaphore, #tpu.memory_space<semaphore_mem>>) src(%dma_wait3A_422 : memref<128x128xf32, #tpu.memory_space<hbm>>) dst(%dma_wait3A_418 : memref<128x128xf32, #tpu.memory_space<vmem>>)
      } else {
      }
      %mul3A_376 = arith.constant 2 : i32
      %mul3A_377 = arith.muli %mul3A_376, %scan3A_346 : i32
      %add3A_378 = arith.constant 1 : i32
      %add3A_379 = arith.addi %mul3A_377, %add3A_378 : i32
      %lt3A_380 = arith.constant 31 : i32
      %lt3A_381 = arith.cmpi slt, %add3A_379, %lt3A_380 : i32
      %convert_element_type3A_382 = arith.extui %lt3A_381 : i1 to i32
      %cond3A_383 = arith.constant 0 : i32
      %cond3A_384 = arith.cmpi ne, %convert_element_type3A_382, %cond3A_383 : i32
      scf.if %cond3A_384 {
        %add3A_408 = arith.constant 4 : i32
        %add3A_409 = arith.addi %add3A_379, %add3A_408 : i32
        %mul3A_410 = arith.constant 128 : i32
        %mul3A_411 = arith.muli %mul3A_410, %add3A_409 : i32
        %add3A_412 = arith.addi %sub3A_34, %mul3A_411 : i32
        %add3A_413 = arith.constant 8192 : i32
        %add3A_414 = arith.addi %add3A_412, %add3A_413 : i32
        %rem3A_415 = arith.constant 4096 : i32
        %rem3A_416 = arith.remsi %add3A_414, %rem3A_415 : i32
        %mul3A_417 = arith.constant 128 : i32
        %mul3A_418 = arith.muli %select_n3A_30, %mul3A_417 : i32
        %rem3A_419 = arith.constant 5 : i32
        %rem3A_420 = arith.remsi %add3A_409, %rem3A_419 : i32
        %mul3A_421 = arith.constant 128 : i32
        %mul3A_422 = arith.muli %mul3A_421, %rem3A_420 : i32
        %dma_start3A_423 = arith.constant 0 : i32
        %dma_start3A_424 = tpu.memref_slice %arg4[%mul3A_422, %dma_start3A_423] : memref<640x128xf32, #tpu.memory_space<vmem>> -> memref<128x128xf32, #tpu.memory_space<vmem>>
        %dma_start3A_425 = tpu.memref_slice %arg2[%select_n3A, %rem3A_416, %mul3A_418] : memref<4x4096x1024xf32, #tpu.memory_space<hbm>> -> memref<1x128x128xf32, #tpu.memory_space<hbm>>
        %dma_start3A_426 = tpu.memref_squeeze %dma_start3A_425 : memref<1x128x128xf32, #tpu.memory_space<hbm>> -> memref<128x128xf32, #tpu.memory_space<hbm>>
        %dma_start3A_427 = arith.constant 0 : i32
        %dma_start3A_428 = tpu.memref_slice %arg4[%mul3A_422, %dma_start3A_427] : memref<640x128xf32, #tpu.memory_space<vmem>> -> memref<128x128xf32, #tpu.memory_space<vmem>>
        %dma_start3A_429 = tpu.memref_slice %arg2[%select_n3A, %rem3A_416, %mul3A_418] : memref<4x4096x1024xf32, #tpu.memory_space<hbm>> -> memref<1x128x128xf32, #tpu.memory_space<hbm>>
        %dma_start3A_430 = tpu.memref_squeeze %dma_start3A_429 : memref<1x128x128xf32, #tpu.memory_space<hbm>> -> memref<128x128xf32, #tpu.memory_space<hbm>>
        tpu.enqueue_dma source(%dma_start3A_430 : memref<128x128xf32, #tpu.memory_space<hbm>>) target(%dma_start3A_428 : memref<128x128xf32, #tpu.memory_space<vmem>>) target_semaphore(%arg7 : memref<!tpu.dma_semaphore, #tpu.memory_space<semaphore_mem>>)
      } else {
      }
      %ge3A_385 = arith.constant 1 : i32
      %ge3A_386 = arith.cmpi sge, %scan3A_346, %ge3A_385 : i32
      %convert_element_type3A_387 = arith.extui %ge3A_386 : i1 to i32
      %cond3A_388 = arith.constant 0 : i32
      %cond3A_389 = arith.cmpi ne, %convert_element_type3A_387, %cond3A_388 : i32
      scf.if %cond3A_389 {
        %dma_wait3A_408 = arith.constant 0 : i32
        %dma_wait3A_409 = arith.constant 0 : i32
        %dma_wait3A_410 = arith.constant 0 : i32
        %dma_wait3A_411 = tpu.memref_slice %arg3[%dma_wait3A_408, %dma_wait3A_409, %dma_wait3A_410] : memref<4x4096x1024xf32, #tpu.memory_space<hbm>> -> memref<1x128x128xf32, #tpu.memory_space<hbm>>
        %dma_wait3A_412 = tpu.memref_squeeze %dma_wait3A_411 : memref<1x128x128xf32, #tpu.memory_space<hbm>> -> memref<128x128xf32, #tpu.memory_space<hbm>>
        %dma_wait3A_413 = arith.constant 0 : i32
        %dma_wait3A_414 = arith.constant 0 : i32
        %dma_wait3A_415 = tpu.memref_slice %arg3[%dma_wait3A_408, %dma_wait3A_413, %dma_wait3A_414] : memref<4x4096x1024xf32, #tpu.memory_space<hbm>> -> memref<1x128x128xf32, #tpu.memory_space<hbm>>
        %dma_wait3A_416 = tpu.memref_squeeze %dma_wait3A_415 : memref<1x128x128xf32, #tpu.memory_space<hbm>> -> memref<128x128xf32, #tpu.memory_space<hbm>>
        tpu.wait_dma2 semaphore(%arg9 : memref<!tpu.dma_semaphore, #tpu.memory_space<semaphore_mem>>) src(%arg6 : memref<128x128xf32, #tpu.memory_space<vmem>>) dst(%dma_wait3A_416 : memref<128x128xf32, #tpu.memory_space<hbm>>)
      } else {
      }
      %scan3A_390 = arith.constant 0 : i32
      %scan3A_391 = arith.constant 64 : i32
      %scan3A_392 = arith.addi %scan3A_390, %scan3A_391 : i32
      %scan3A_393 = arith.constant 1 : i32
      scf.for %scan3A_408 = %scan3A_390 to %scan3A_392 step %scan3A_393  : i32 {
        %mul3A_409 = arith.constant 2 : i32
        %mul3A_410 = arith.muli %mul3A_409, %scan3A_408 : i32
        %mul3A_411 = arith.constant 128 : i32
        %mul3A_412 = arith.muli %mul3A_411, %add3A_379 : i32
        %add3A_413 = arith.addi %mul3A_412, %mul3A_410 : i32
        %rem3A_414 = arith.constant 640 : i32
        %rem3A_415 = arith.remsi %add3A_413, %rem3A_414 : i32
        %add3A_416 = vector.broadcast %rem3A_415 : i32 to vector<16xi32>
        %add3A_417 = arith.addi %sub3A_169, %add3A_416 : vector<16xi32>
        %ge3A_418 = arith.constant 640 : i32
        %ge3A_419 = vector.broadcast %ge3A_418 : i32 to vector<16xi32>
        %ge3A_420 = arith.cmpi sge, %add3A_417, %ge3A_419 : vector<16xi32>
        %sub3A_421 = arith.constant 640 : i32
        %sub3A_422 = vector.broadcast %sub3A_421 : i32 to vector<16xi32>
        %sub3A_423 = arith.subi %add3A_417, %sub3A_422 : vector<16xi32>
        %select_n3A_424 = arith.select %ge3A_420, %sub3A_423, %add3A_417 : vector<16xi1>, vector<16xi32>
        %gather3A = tpu.vector_load_idx %arg4[%select_n3A_424, %add3A_151] : memref<640x128xf32, #tpu.memory_space<vmem>>[vector<16xi32>, vector<16xi32>], vector<16xf32>,
        %add3A_425 = arith.constant 1 : i32
        %add3A_426 = vector.broadcast %add3A_425 : i32 to vector<16xi32>
        %add3A_427 = arith.addi %select_n3A_424, %add3A_426 : vector<16xi32>
        %gather3A_428 = tpu.vector_load_idx %arg4[%add3A_427, %add3A_151] : memref<640x128xf32, #tpu.memory_space<vmem>>[vector<16xi32>, vector<16xi32>], vector<16xf32>,
        %min3A = arith.minimumf %gather3A, %gather3A_428 : vector<16xf32>
        %swap3A = arith.index_cast %mul3A_410 : i32 to index
        %swap3A_429 = arith.constant 0 : index
        %swap3A_430 = tpu.vector_load %arg6[%swap3A, %swap3A_429] {strides = array<i32>} : memref<128x128xf32, #tpu.memory_space<vmem>>, vector<16xf32>,
        tpu.vector_store %arg6[%swap3A, %swap3A_429], %min3A {strides = array<i32>} : memref<128x128xf32, #tpu.memory_space<vmem>>, vector<16xf32>,
        %max3A_431 = arith.maximumf %gather3A, %gather3A_428 : vector<16xf32>
        %add3A_432 = arith.constant 1 : i32
        %add3A_433 = arith.addi %mul3A_410, %add3A_432 : i32
        %swap3A_434 = arith.index_cast %add3A_433 : i32 to index
        %swap3A_435 = arith.constant 0 : index
        %swap3A_436 = tpu.vector_load %arg6[%swap3A_434, %swap3A_435] {strides = array<i32>} : memref<128x128xf32, #tpu.memory_space<vmem>>, vector<16xf32>,
        tpu.vector_store %arg6[%swap3A_434, %swap3A_435], %max3A_431 {strides = array<i32>} : memref<128x128xf32, #tpu.memory_space<vmem>>, vector<16xf32>,
        %add3A_437 = vector.broadcast %rem3A_415 : i32 to vector<16xi32>
        %add3A_438 = arith.addi %sub3A_191, %add3A_437 : vector<16xi32>
        %ge3A_439 = arith.constant 640 : i32
        %ge3A_440 = vector.broadcast %ge3A_439 : i32 to vector<16xi32>
        %ge3A_441 = arith.cmpi sge, %add3A_438, %ge3A_440 : vector<16xi32>
        %sub3A_442 = arith.constant 640 : i32
        %sub3A_443 = vector.broadcast %sub3A_442 : i32 to vector<16xi32>
        %sub3A_444 = arith.subi %add3A_438, %sub3A_443 : vector<16xi32>
        %select_n3A_445 = arith.select %ge3A_441, %sub3A_444, %add3A_438 : vector<16xi1>, vector<16xi32>
        %gather3A_446 = tpu.vector_load_idx %arg4[%select_n3A_445, %add3A_172] : memref<640x128xf32, #tpu.memory_space<vmem>>[vector<16xi32>, vector<16xi32>], vector<16xf32>,
        %add3A_447 = arith.constant 1 : i32
        %add3A_448 = vector.broadcast %add3A_447 : i32 to vector<16xi32>
        %add3A_449 = arith.addi %select_n3A_445, %add3A_448 : vector<16xi32>
        %gather3A_450 = tpu.vector_load_idx %arg4[%add3A_449, %add3A_172] : memref<640x128xf32, #tpu.memory_space<vmem>>[vector<16xi32>, vector<16xi32>], vector<16xf32>,
        %min3A_451 = arith.minimumf %gather3A_446, %gather3A_450 : vector<16xf32>
        %swap3A_452 = arith.index_cast %mul3A_410 : i32 to index
        %swap3A_453 = arith.constant 16 : index
        %swap3A_454 = tpu.vector_load %arg6[%swap3A_452, %swap3A_453] {strides = array<i32>} : memref<128x128xf32, #tpu.memory_space<vmem>>, vector<16xf32>,
        tpu.vector_store %arg6[%swap3A_452, %swap3A_453], %min3A_451 {strides = array<i32>} : memref<128x128xf32, #tpu.memory_space<vmem>>, vector<16xf32>,
        %max3A_455 = arith.maximumf %gather3A_446, %gather3A_450 : vector<16xf32>
        %add3A_456 = arith.constant 1 : i32
        %add3A_457 = arith.addi %mul3A_410, %add3A_456 : i32
        %swap3A_458 = arith.index_cast %add3A_457 : i32 to index
        %swap3A_459 = arith.constant 16 : index
        %swap3A_460 = tpu.vector_load %arg6[%swap3A_458, %swap3A_459] {strides = array<i32>} : memref<128x128xf32, #tpu.memory_space<vmem>>, vector<16xf32>,
        tpu.vector_store %arg6[%swap3A_458, %swap3A_459], %max3A_455 {strides = array<i32>} : memref<128x128xf32, #tpu.memory_space<vmem>>, vector<16xf32>,
        %add3A_461 = vector.broadcast %rem3A_415 : i32 to vector<16xi32>
        %add3A_462 = arith.addi %sub3A_213, %add3A_461 : vector<16xi32>
        %ge3A_463 = arith.constant 640 : i32
        %ge3A_464 = vector.broadcast %ge3A_463 : i32 to vector<16xi32>
        %ge3A_465 = arith.cmpi sge, %add3A_462, %ge3A_464 : vector<16xi32>
        %sub3A_466 = arith.constant 640 : i32
        %sub3A_467 = vector.broadcast %sub3A_466 : i32 to vector<16xi32>
        %sub3A_468 = arith.subi %add3A_462, %sub3A_467 : vector<16xi32>
        %select_n3A_469 = arith.select %ge3A_465, %sub3A_468, %add3A_462 : vector<16xi1>, vector<16xi32>
        %gather3A_470 = tpu.vector_load_idx %arg4[%select_n3A_469, %add3A_194] : memref<640x128xf32, #tpu.memory_space<vmem>>[vector<16xi32>, vector<16xi32>], vector<16xf32>,
        %add3A_471 = arith.constant 1 : i32
        %add3A_472 = vector.broadcast %add3A_471 : i32 to vector<16xi32>
        %add3A_473 = arith.addi %select_n3A_469, %add3A_472 : vector<16xi32>
        %gather3A_474 = tpu.vector_load_idx %arg4[%add3A_473, %add3A_194] : memref<640x128xf32, #tpu.memory_space<vmem>>[vector<16xi32>, vector<16xi32>], vector<16xf32>,
        %min3A_475 = arith.minimumf %gather3A_470, %gather3A_474 : vector<16xf32>
        %swap3A_476 = arith.index_cast %mul3A_410 : i32 to index
        %swap3A_477 = arith.constant 32 : index
        %swap3A_478 = tpu.vector_load %arg6[%swap3A_476, %swap3A_477] {strides = array<i32>} : memref<128x128xf32, #tpu.memory_space<vmem>>, vector<16xf32>,
        tpu.vector_store %arg6[%swap3A_476, %swap3A_477], %min3A_475 {strides = array<i32>} : memref<128x128xf32, #tpu.memory_space<vmem>>, vector<16xf32>,
        %max3A_479 = arith.maximumf %gather3A_470, %gather3A_474 : vector<16xf32>
        %add3A_480 = arith.constant 1 : i32
        %add3A_481 = arith.addi %mul3A_410, %add3A_480 : i32
        %swap3A_482 = arith.index_cast %add3A_481 : i32 to index
        %swap3A_483 = arith.constant 32 : index
        %swap3A_484 = tpu.vector_load %arg6[%swap3A_482, %swap3A_483] {strides = array<i32>} : memref<128x128xf32, #tpu.memory_space<vmem>>, vector<16xf32>,
        tpu.vector_store %arg6[%swap3A_482, %swap3A_483], %max3A_479 {strides = array<i32>} : memref<128x128xf32, #tpu.memory_space<vmem>>, vector<16xf32>,
        %add3A_485 = vector.broadcast %rem3A_415 : i32 to vector<16xi32>
        %add3A_486 = arith.addi %sub3A_235, %add3A_485 : vector<16xi32>
        %ge3A_487 = arith.constant 640 : i32
        %ge3A_488 = vector.broadcast %ge3A_487 : i32 to vector<16xi32>
        %ge3A_489 = arith.cmpi sge, %add3A_486, %ge3A_488 : vector<16xi32>
        %sub3A_490 = arith.constant 640 : i32
        %sub3A_491 = vector.broadcast %sub3A_490 : i32 to vector<16xi32>
        %sub3A_492 = arith.subi %add3A_486, %sub3A_491 : vector<16xi32>
        %select_n3A_493 = arith.select %ge3A_489, %sub3A_492, %add3A_486 : vector<16xi1>, vector<16xi32>
        %gather3A_494 = tpu.vector_load_idx %arg4[%select_n3A_493, %add3A_216] : memref<640x128xf32, #tpu.memory_space<vmem>>[vector<16xi32>, vector<16xi32>], vector<16xf32>,
        %add3A_495 = arith.constant 1 : i32
        %add3A_496 = vector.broadcast %add3A_495 : i32 to vector<16xi32>
        %add3A_497 = arith.addi %select_n3A_493, %add3A_496 : vector<16xi32>
        %gather3A_498 = tpu.vector_load_idx %arg4[%add3A_497, %add3A_216] : memref<640x128xf32, #tpu.memory_space<vmem>>[vector<16xi32>, vector<16xi32>], vector<16xf32>,
        %min3A_499 = arith.minimumf %gather3A_494, %gather3A_498 : vector<16xf32>
        %swap3A_500 = arith.index_cast %mul3A_410 : i32 to index
        %swap3A_501 = arith.constant 48 : index
        %swap3A_502 = tpu.vector_load %arg6[%swap3A_500, %swap3A_501] {strides = array<i32>} : memref<128x128xf32, #tpu.memory_space<vmem>>, vector<16xf32>,
        tpu.vector_store %arg6[%swap3A_500, %swap3A_501], %min3A_499 {strides = array<i32>} : memref<128x128xf32, #tpu.memory_space<vmem>>, vector<16xf32>,
        %max3A_503 = arith.maximumf %gather3A_494, %gather3A_498 : vector<16xf32>
        %add3A_504 = arith.constant 1 : i32
        %add3A_505 = arith.addi %mul3A_410, %add3A_504 : i32
        %swap3A_506 = arith.index_cast %add3A_505 : i32 to index
        %swap3A_507 = arith.constant 48 : index
        %swap3A_508 = tpu.vector_load %arg6[%swap3A_506, %swap3A_507] {strides = array<i32>} : memref<128x128xf32, #tpu.memory_space<vmem>>, vector<16xf32>,
        tpu.vector_store %arg6[%swap3A_506, %swap3A_507], %max3A_503 {strides = array<i32>} : memref<128x128xf32, #tpu.memory_space<vmem>>, vector<16xf32>,
        %add3A_509 = vector.broadcast %rem3A_415 : i32 to vector<16xi32>
        %add3A_510 = arith.addi %sub3A_257, %add3A_509 : vector<16xi32>
        %ge3A_511 = arith.constant 640 : i32
        %ge3A_512 = vector.broadcast %ge3A_511 : i32 to vector<16xi32>
        %ge3A_513 = arith.cmpi sge, %add3A_510, %ge3A_512 : vector<16xi32>
        %sub3A_514 = arith.constant 640 : i32
        %sub3A_515 = vector.broadcast %sub3A_514 : i32 to vector<16xi32>
        %sub3A_516 = arith.subi %add3A_510, %sub3A_515 : vector<16xi32>
        %select_n3A_517 = arith.select %ge3A_513, %sub3A_516, %add3A_510 : vector<16xi1>, vector<16xi32>
        %gather3A_518 = tpu.vector_load_idx %arg4[%select_n3A_517, %add3A_238] : memref<640x128xf32, #tpu.memory_space<vmem>>[vector<16xi32>, vector<16xi32>], vector<16xf32>,
        %add3A_519 = arith.constant 1 : i32
        %add3A_520 = vector.broadcast %add3A_519 : i32 to vector<16xi32>
        %add3A_521 = arith.addi %select_n3A_517, %add3A_520 : vector<16xi32>
        %gather3A_522 = tpu.vector_load_idx %arg4[%add3A_521, %add3A_238] : memref<640x128xf32, #tpu.memory_space<vmem>>[vector<16xi32>, vector<16xi32>], vector<16xf32>,
        %min3A_523 = arith.minimumf %gather3A_518, %gather3A_522 : vector<16xf32>
        %swap3A_524 = arith.index_cast %mul3A_410 : i32 to index
        %swap3A_525 = arith.constant 64 : index
        %swap3A_526 = tpu.vector_load %arg6[%swap3A_524, %swap3A_525] {strides = array<i32>} : memref<128x128xf32, #tpu.memory_space<vmem>>, vector<16xf32>,
        tpu.vector_store %arg6[%swap3A_524, %swap3A_525], %min3A_523 {strides = array<i32>} : memref<128x128xf32, #tpu.memory_space<vmem>>, vector<16xf32>,
        %max3A_527 = arith.maximumf %gather3A_518, %gather3A_522 : vector<16xf32>
        %add3A_528 = arith.constant 1 : i32
        %add3A_529 = arith.addi %mul3A_410, %add3A_528 : i32
        %swap3A_530 = arith.index_cast %add3A_529 : i32 to index
        %swap3A_531 = arith.constant 64 : index
        %swap3A_532 = tpu.vector_load %arg6[%swap3A_530, %swap3A_531] {strides = array<i32>} : memref<128x128xf32, #tpu.memory_space<vmem>>, vector<16xf32>,
        tpu.vector_store %arg6[%swap3A_530, %swap3A_531], %max3A_527 {strides = array<i32>} : memref<128x128xf32, #tpu.memory_space<vmem>>, vector<16xf32>,
        %add3A_533 = vector.broadcast %rem3A_415 : i32 to vector<16xi32>
        %add3A_534 = arith.addi %sub3A_279, %add3A_533 : vector<16xi32>
        %ge3A_535 = arith.constant 640 : i32
        %ge3A_536 = vector.broadcast %ge3A_535 : i32 to vector<16xi32>
        %ge3A_537 = arith.cmpi sge, %add3A_534, %ge3A_536 : vector<16xi32>
        %sub3A_538 = arith.constant 640 : i32
        %sub3A_539 = vector.broadcast %sub3A_538 : i32 to vector<16xi32>
        %sub3A_540 = arith.subi %add3A_534, %sub3A_539 : vector<16xi32>
        %select_n3A_541 = arith.select %ge3A_537, %sub3A_540, %add3A_534 : vector<16xi1>, vector<16xi32>
        %gather3A_542 = tpu.vector_load_idx %arg4[%select_n3A_541, %add3A_260] : memref<640x128xf32, #tpu.memory_space<vmem>>[vector<16xi32>, vector<16xi32>], vector<16xf32>,
        %add3A_543 = arith.constant 1 : i32
        %add3A_544 = vector.broadcast %add3A_543 : i32 to vector<16xi32>
        %add3A_545 = arith.addi %select_n3A_541, %add3A_544 : vector<16xi32>
        %gather3A_546 = tpu.vector_load_idx %arg4[%add3A_545, %add3A_260] : memref<640x128xf32, #tpu.memory_space<vmem>>[vector<16xi32>, vector<16xi32>], vector<16xf32>,
        %min3A_547 = arith.minimumf %gather3A_542, %gather3A_546 : vector<16xf32>
        %swap3A_548 = arith.index_cast %mul3A_410 : i32 to index
        %swap3A_549 = arith.constant 80 : index
        %swap3A_550 = tpu.vector_load %arg6[%swap3A_548, %swap3A_549] {strides = array<i32>} : memref<128x128xf32, #tpu.memory_space<vmem>>, vector<16xf32>,
        tpu.vector_store %arg6[%swap3A_548, %swap3A_549], %min3A_547 {strides = array<i32>} : memref<128x128xf32, #tpu.memory_space<vmem>>, vector<16xf32>,
        %max3A_551 = arith.maximumf %gather3A_542, %gather3A_546 : vector<16xf32>
        %add3A_552 = arith.constant 1 : i32
        %add3A_553 = arith.addi %mul3A_410, %add3A_552 : i32
        %swap3A_554 = arith.index_cast %add3A_553 : i32 to index
        %swap3A_555 = arith.constant 80 : index
        %swap3A_556 = tpu.vector_load %arg6[%swap3A_554, %swap3A_555] {strides = array<i32>} : memref<128x128xf32, #tpu.memory_space<vmem>>, vector<16xf32>,
        tpu.vector_store %arg6[%swap3A_554, %swap3A_555], %max3A_551 {strides = array<i32>} : memref<128x128xf32, #tpu.memory_space<vmem>>, vector<16xf32>,
        %add3A_557 = vector.broadcast %rem3A_415 : i32 to vector<16xi32>
        %add3A_558 = arith.addi %sub3A_301, %add3A_557 : vector<16xi32>
        %ge3A_559 = arith.constant 640 : i32
        %ge3A_560 = vector.broadcast %ge3A_559 : i32 to vector<16xi32>
        %ge3A_561 = arith.cmpi sge, %add3A_558, %ge3A_560 : vector<16xi32>
        %sub3A_562 = arith.constant 640 : i32
        %sub3A_563 = vector.broadcast %sub3A_562 : i32 to vector<16xi32>
        %sub3A_564 = arith.subi %add3A_558, %sub3A_563 : vector<16xi32>
        %select_n3A_565 = arith.select %ge3A_561, %sub3A_564, %add3A_558 : vector<16xi1>, vector<16xi32>
        %gather3A_566 = tpu.vector_load_idx %arg4[%select_n3A_565, %add3A_282] : memref<640x128xf32, #tpu.memory_space<vmem>>[vector<16xi32>, vector<16xi32>], vector<16xf32>,
        %add3A_567 = arith.constant 1 : i32
        %add3A_568 = vector.broadcast %add3A_567 : i32 to vector<16xi32>
        %add3A_569 = arith.addi %select_n3A_565, %add3A_568 : vector<16xi32>
        %gather3A_570 = tpu.vector_load_idx %arg4[%add3A_569, %add3A_282] : memref<640x128xf32, #tpu.memory_space<vmem>>[vector<16xi32>, vector<16xi32>], vector<16xf32>,
        %min3A_571 = arith.minimumf %gather3A_566, %gather3A_570 : vector<16xf32>
        %swap3A_572 = arith.index_cast %mul3A_410 : i32 to index
        %swap3A_573 = arith.constant 96 : index
        %swap3A_574 = tpu.vector_load %arg6[%swap3A_572, %swap3A_573] {strides = array<i32>} : memref<128x128xf32, #tpu.memory_space<vmem>>, vector<16xf32>,
        tpu.vector_store %arg6[%swap3A_572, %swap3A_573], %min3A_571 {strides = array<i32>} : memref<128x128xf32, #tpu.memory_space<vmem>>, vector<16xf32>,
        %max3A_575 = arith.maximumf %gather3A_566, %gather3A_570 : vector<16xf32>
        %add3A_576 = arith.constant 1 : i32
        %add3A_577 = arith.addi %mul3A_410, %add3A_576 : i32
        %swap3A_578 = arith.index_cast %add3A_577 : i32 to index
        %swap3A_579 = arith.constant 96 : index
        %swap3A_580 = tpu.vector_load %arg6[%swap3A_578, %swap3A_579] {strides = array<i32>} : memref<128x128xf32, #tpu.memory_space<vmem>>, vector<16xf32>,
        tpu.vector_store %arg6[%swap3A_578, %swap3A_579], %max3A_575 {strides = array<i32>} : memref<128x128xf32, #tpu.memory_space<vmem>>, vector<16xf32>,
        %add3A_581 = vector.broadcast %rem3A_415 : i32 to vector<16xi32>
        %add3A_582 = arith.addi %sub3A_323, %add3A_581 : vector<16xi32>
        %ge3A_583 = arith.constant 640 : i32
        %ge3A_584 = vector.broadcast %ge3A_583 : i32 to vector<16xi32>
        %ge3A_585 = arith.cmpi sge, %add3A_582, %ge3A_584 : vector<16xi32>
        %sub3A_586 = arith.constant 640 : i32
        %sub3A_587 = vector.broadcast %sub3A_586 : i32 to vector<16xi32>
        %sub3A_588 = arith.subi %add3A_582, %sub3A_587 : vector<16xi32>
        %select_n3A_589 = arith.select %ge3A_585, %sub3A_588, %add3A_582 : vector<16xi1>, vector<16xi32>
        %gather3A_590 = tpu.vector_load_idx %arg4[%select_n3A_589, %add3A_304] : memref<640x128xf32, #tpu.memory_space<vmem>>[vector<16xi32>, vector<16xi32>], vector<16xf32>,
        %add3A_591 = arith.constant 1 : i32
        %add3A_592 = vector.broadcast %add3A_591 : i32 to vector<16xi32>
        %add3A_593 = arith.addi %select_n3A_589, %add3A_592 : vector<16xi32>
        %gather3A_594 = tpu.vector_load_idx %arg4[%add3A_593, %add3A_304] : memref<640x128xf32, #tpu.memory_space<vmem>>[vector<16xi32>, vector<16xi32>], vector<16xf32>,
        %min3A_595 = arith.minimumf %gather3A_590, %gather3A_594 : vector<16xf32>
        %swap3A_596 = arith.index_cast %mul3A_410 : i32 to index
        %swap3A_597 = arith.constant 112 : index
        %swap3A_598 = tpu.vector_load %arg6[%swap3A_596, %swap3A_597] {strides = array<i32>} : memref<128x128xf32, #tpu.memory_space<vmem>>, vector<16xf32>,
        tpu.vector_store %arg6[%swap3A_596, %swap3A_597], %min3A_595 {strides = array<i32>} : memref<128x128xf32, #tpu.memory_space<vmem>>, vector<16xf32>,
        %max3A_599 = arith.maximumf %gather3A_590, %gather3A_594 : vector<16xf32>
        %add3A_600 = arith.constant 1 : i32
        %add3A_601 = arith.addi %mul3A_410, %add3A_600 : i32
        %swap3A_602 = arith.index_cast %add3A_601 : i32 to index
        %swap3A_603 = arith.constant 112 : index
        %swap3A_604 = tpu.vector_load %arg6[%swap3A_602, %swap3A_603] {strides = array<i32>} : memref<128x128xf32, #tpu.memory_space<vmem>>, vector<16xf32>,
        tpu.vector_store %arg6[%swap3A_602, %swap3A_603], %max3A_599 {strides = array<i32>} : memref<128x128xf32, #tpu.memory_space<vmem>>, vector<16xf32>,
      }
      %scan3A_394 = arith.constant 64 : i32
      %mul3A_395 = arith.constant 128 : i32
      %mul3A_396 = arith.muli %mul3A_395, %add3A_379 : i32
      %mul3A_397 = arith.constant 128 : i32
      %mul3A_398 = arith.muli %select_n3A_30, %mul3A_397 : i32
      %dma_start3A_399 = tpu.memref_slice %arg3[%select_n3A, %mul3A_396, %mul3A_398] : memref<4x4096x1024xf32, #tpu.memory_space<hbm>> -> memref<1x128x128xf32, #tpu.memory_space<hbm>>
      %dma_start3A_400 = tpu.memref_squeeze %dma_start3A_399 : memref<1x128x128xf32, #tpu.memory_space<hbm>> -> memref<128x128xf32, #tpu.memory_space<hbm>>
      %dma_start3A_401 = tpu.memref_slice %arg3[%select_n3A, %mul3A_396, %mul3A_398] : memref<4x4096x1024xf32, #tpu.memory_space<hbm>> -> memref<1x128x128xf32, #tpu.memory_space<hbm>>
      %dma_start3A_402 = tpu.memref_squeeze %dma_start3A_401 : memref<1x128x128xf32, #tpu.memory_space<hbm>> -> memref<128x128xf32, #tpu.memory_space<hbm>>
      tpu.enqueue_dma source(%arg6 : memref<128x128xf32, #tpu.memory_space<vmem>>) target(%dma_start3A_402 : memref<128x128xf32, #tpu.memory_space<hbm>>) target_semaphore(%arg9 : memref<!tpu.dma_semaphore, #tpu.memory_space<semaphore_mem>>)
      %lt3A_403 = arith.constant 31 : i32
      %lt3A_404 = arith.cmpi slt, %add3A_379, %lt3A_403 : i32
      %convert_element_type3A_405 = arith.extui %lt3A_404 : i1 to i32
      %cond3A_406 = arith.constant 0 : i32
      %cond3A_407 = arith.cmpi ne, %convert_element_type3A_405, %cond3A_406 : i32
      scf.if %cond3A_407 {
        %dma_wait3A_408 = arith.constant 0 : i32
        %dma_wait3A_409 = arith.constant 0 : i32
        %dma_wait3A_410 = arith.constant 0 : i32
        %dma_wait3A_411 = tpu.memref_slice %arg4[%dma_wait3A_409, %dma_wait3A_410] : memref<640x128xf32, #tpu.memory_space<vmem>> -> memref<128x128xf32, #tpu.memory_space<vmem>>
        %dma_wait3A_412 = arith.constant 0 : i32
        %dma_wait3A_413 = arith.constant 0 : i32
        %dma_wait3A_414 = tpu.memref_slice %arg2[%dma_wait3A_408, %dma_wait3A_412, %dma_wait3A_413] : memref<4x4096x1024xf32, #tpu.memory_space<hbm>> -> memref<1x128x128xf32, #tpu.memory_space<hbm>>
        %dma_wait3A_415 = tpu.memref_squeeze %dma_wait3A_414 : memref<1x128x128xf32, #tpu.memory_space<hbm>> -> memref<128x128xf32, #tpu.memory_space<hbm>>
        %dma_wait3A_416 = arith.constant 0 : i32
        %dma_wait3A_417 = arith.constant 0 : i32
        %dma_wait3A_418 = tpu.memref_slice %arg4[%dma_wait3A_416, %dma_wait3A_417] : memref<640x128xf32, #tpu.memory_space<vmem>> -> memref<128x128xf32, #tpu.memory_space<vmem>>
        %dma_wait3A_419 = arith.constant 0 : i32
        %dma_wait3A_420 = arith.constant 0 : i32
        %dma_wait3A_421 = tpu.memref_slice %arg2[%dma_wait3A_408, %dma_wait3A_419, %dma_wait3A_420] : memref<4x4096x1024xf32, #tpu.memory_space<hbm>> -> memref<1x128x128xf32, #tpu.memory_space<hbm>>
        %dma_wait3A_422 = tpu.memref_squeeze %dma_wait3A_421 : memref<1x128x128xf32, #tpu.memory_space<hbm>> -> memref<128x128xf32, #tpu.memory_space<hbm>>
        tpu.wait_dma2 semaphore(%arg7 : memref<!tpu.dma_semaphore, #tpu.memory_space<semaphore_mem>>) src(%dma_wait3A_422 : memref<128x128xf32, #tpu.memory_space<hbm>>) dst(%dma_wait3A_418 : memref<128x128xf32, #tpu.memory_space<vmem>>)
      } else {
      }
    }
    %scan3A_327 = arith.constant 16 : i32
    %dma_wait3A_328 = arith.constant 0 : i32
    %dma_wait3A_329 = arith.constant 0 : i32
    %dma_wait3A_330 = arith.constant 0 : i32
    %dma_wait3A_331 = tpu.memref_slice %arg3[%dma_wait3A_328, %dma_wait3A_329, %dma_wait3A_330] : memref<4x4096x1024xf32, #tpu.memory_space<hbm>> -> memref<1x128x128xf32, #tpu.memory_space<hbm>>
    %dma_wait3A_332 = tpu.memref_squeeze %dma_wait3A_331 : memref<1x128x128xf32, #tpu.memory_space<hbm>> -> memref<128x128xf32, #tpu.memory_space<hbm>>
    %dma_wait3A_333 = arith.constant 0 : i32
    %dma_wait3A_334 = arith.constant 0 : i32
    %dma_wait3A_335 = tpu.memref_slice %arg3[%dma_wait3A_328, %dma_wait3A_333, %dma_wait3A_334] : memref<4x4096x1024xf32, #tpu.memory_space<hbm>> -> memref<1x128x128xf32, #tpu.memory_space<hbm>>
    %dma_wait3A_336 = tpu.memref_squeeze %dma_wait3A_335 : memref<1x128x128xf32, #tpu.memory_space<hbm>> -> memref<128x128xf32, #tpu.memory_space<hbm>>
    tpu.wait_dma2 semaphore(%arg8 : memref<!tpu.dma_semaphore, #tpu.memory_space<semaphore_mem>>) src(%arg5 : memref<128x128xf32, #tpu.memory_space<vmem>>) dst(%dma_wait3A_336 : memref<128x128xf32, #tpu.memory_space<hbm>>)
    %dma_wait3A_337 = arith.constant 0 : i32
    %dma_wait3A_338 = arith.constant 0 : i32
    %dma_wait3A_339 = arith.constant 0 : i32
    %dma_wait3A_340 = tpu.memref_slice %arg3[%dma_wait3A_337, %dma_wait3A_338, %dma_wait3A_339] : memref<4x4096x1024xf32, #tpu.memory_space<hbm>> -> memref<1x128x128xf32, #tpu.memory_space<hbm>>
    %dma_wait3A_341 = tpu.memref_squeeze %dma_wait3A_340 : memref<1x128x128xf32, #tpu.memory_space<hbm>> -> memref<128x128xf32, #tpu.memory_space<hbm>>
    %dma_wait3A_342 = arith.constant 0 : i32
    %dma_wait3A_343 = arith.constant 0 : i32
    %dma_wait3A_344 = tpu.memref_slice %arg3[%dma_wait3A_337, %dma_wait3A_342, %dma_wait3A_343] : memref<4x4096x1024xf32, #tpu.memory_space<hbm>> -> memref<1x128x128xf32, #tpu.memory_space<hbm>>
    %dma_wait3A_345 = tpu.memref_squeeze %dma_wait3A_344 : memref<1x128x128xf32, #tpu.memory_space<hbm>> -> memref<128x128xf32, #tpu.memory_space<hbm>>
    tpu.wait_dma2 semaphore(%arg9 : memref<!tpu.dma_semaphore, #tpu.memory_space<semaphore_mem>>) src(%arg6 : memref<128x128xf32, #tpu.memory_space<vmem>>) dst(%dma_wait3A_345 : memref<128x128xf32, #tpu.memory_space<hbm>>)
    return
  }
}

</mosaic_0001>

<sc_bundles>
// kernel: kernel.3.cloned.1.call-start
scs
__scs_entry_jumppad:
0x0: {  	(pc) =	sbr.rel $0x88, $3  }
0x1: {  	(tag) =	ssettag $0x0;
	lr =	simm.s32 $0x1  }
0x2: {  	[smem:$0x3FA0] =	sst lr;
	_ =	strace $0xD0000000  }
0x3: {  	_ = 	snop  }
0x4: {  	_ = 	snop  }
0x5: {  	_ = 	snop  }
0x6: {  	_ = 	snop  }
0x7: {  	_ = 	snop  }
__scs_overlays_trampoline_lowered:
0x8: {  	[smem:$0x3FAF] =	sst s0  }
0x9: {  	[smem:$0x3FB0] =	sst s1  }
0xa: {  	[smem:$0x3FB1] =	sst s2  }
0xb: {  	[smem:$0x3FB2] =	sst s3  }
0xc: {  	[smem:$0x3FB3] =	sst s4  }
0xd: {  	[smem:$0x3FB4] =	sst s5  }
0xe: {  	[smem:$0x3FB5] =	sst s6  }
0xf: {  	[smem:$0x3FB6] =	sst s7  }
0x10: {  	[smem:$0x3FB7] =	sst s8  }
0x11: {  	[smem:$0x3FB8] =	sst s9;
	s0 =	simm.s32 @!p0 $0x0  }
0x12: {  	s1 =	sld [smem:$0x3F9E];
	s0 =	simm.s32 @p0 $0x1  }
0x13: {  	[smem:$0x3FB9] =	sst s0;
	s0 =	simm.s32 @!p1 $0x0  }
0x14: {  	s2 =	sld [smem:$0x3F9D];
	s0 =	simm.s32 @p1 $0x1  }
0x15: {  	[smem:$0x3FBA] =	sst s0;
	s0 =	simm.s32 @!p2 $0x0  }
0x16: {  	s3 =	sld [smem:$0x3FDB];
	s0 =	simm.s32 @p2 $0x1  }
0x17: {  	s4 =	simm.s32 $0x1BF5;
	[smem:$0x3FBC] =	sst s0  }
0x18: {  	s0 =	sld [smem:$0x3F9F];
	_ =	swait.ge [sflag:s4], $0x0  }
0x19: {  	s7 =	sld [smem:$0x3FA0]  }
0x1a: {  	s8 =	sadd.s32 $0xFFFFE003, lr  }
0x1b: {  	s9 =	sadd.s32 $0xFFFFFEF7, lr;
	s5 =	simm.s32 $0xFFFFFFFF;
	p2 =	slt.u32 s8, $0xFFFFF086  }
0x1c: {  	p1 =	slt.u32 s9, $0xF7A;
	s5 =	simm.s32 @!p2 $0x0  }
0x1d: {  	s5 =	simm.s32 @p1 $0x1;
	p0 =	seq.s32 s7, s2  }
0x1e: {  	s7 =	smul.u32 @!p0 $0xF7A, s2;
	p2 =	seq.s32 @!p0 s5, $0x0  }
0x1f: {  	s9 =	smul.u32 $0xF7A, s1;
	s8 =	simm.s32 @!p0 $0x1BF5;
	p2 =	por !p2, p0  }
0x20: {  	[sflag:s8] =	ssyncset.s32 @!p0 $0xFFFFF086;
	s6 =	sadd.s32 @!p0 s3, s7;
	s7 =	simm.s32 @!p0 $0x108  }
0x21: {  	s3 =	sadd.s32 s3, s9;
	s6 =	sadd.s32 @!p0 $0x88, s6;
	s7 =	simm.s32 @p2 $0x1082  }
0x22: {  	[simem:s7], [sflag:s8] =	dma.local @!p0 [hbm:s6], $0xF7A  }
0x23: {  	s9 =	sor.u32 $0xD0000000, s2;
	s6 =	simm.s32 $0x108;
	_ =	swait.ge @!p0 [sflag:s8], $0x0  }
0x24: {  	s3 =	sadd.s32 $0x88, s3;
	s6 =	simm.s32 @!p1 $0x1082;
	[sflag:s4] =	ssyncset.s32 $0xFFFFF086  }
0x25: {  	[simem:s6], [sflag:s4] =	dma.local [hbm:s3], $0xF7A  }
0x26: {  	[smem:$0x3FA0] =	sst s1;
	(tag) =	ssettag s2;
	_ =	strace s9  }
0x27: {  	s1 =	sld [smem:$0x3FB0]  }
0x28: {  	s2 =	sld [smem:$0x3FB1]  }
0x29: {  	s4 =	sld [smem:$0x3FB3]  }
0x2a: {  	p0 =	seq.s32 s5, $0x0;
	s5 =	sld [smem:$0x3FB4]  }
0x2b: {  	s6 =	sld [smem:$0x3FB5]  }
0x2c: {  	s7 =	sld [smem:$0x3FB6]  }
0x2d: {  	s3 =	simm.s32 $0x108;
	s8 =	sld [smem:$0x3FB7]  }
0x2e: {  	s3 =	simm.s32 @!p0 $0x1082;
	s9 =	sld [smem:$0x3FB8]  }
0x2f: {  	lr =	sadd.s32 s0, s3;
	s0 =	sld [smem:$0x3FAF]  }
0x30: {  	s3 =	sld [smem:$0x3FB2]  }
0x31: {  	[smem:$0x3FBB] =	sst s10  }
0x32: {  	s10 =	sld [smem:$0x3FB9];
	_ =	sdelay $0x3  }
0x33: {  	p0 =	seq.s32 s10, $0x1;
	s10 =	sld [smem:$0x3FBB];
	_ =	sdelay $0x3  }
0x34: {  	[smem:$0x3FBB] =	sst s10  }
0x35: {  	s10 =	sld [smem:$0x3FBA];
	_ =	sdelay $0x3  }
0x36: {  	p1 =	seq.s32 s10, $0x1;
	s10 =	sld [smem:$0x3FBB];
	_ =	sdelay $0x3  }
0x37: {  	[smem:$0x3FBB] =	sst s10  }
0x38: {  	s10 =	sld [smem:$0x3FBC]  }
0x39: {  	_ = 	snop;
	(pc) =	sbr.ind lr, $3  }
0x3a: {  	_ = 	snop  }
0x3b: {  	_ = 	snop  }
0x3c: {  	p2 =	seq.s32 s10, $0x1;
	s10 =	sld [smem:$0x3FBB]  }
0x3d: {  	_ =	shalt  }
0x3e: {  	_ =	shalt  }
0x3f: {  	_ =	shalt  }
0x40: {  	_ =	shalt  }
0x41: {  	_ =	shalt  }
0x42: {  	_ =	shalt  }
0x43: {  	_ =	shalt  }
0x44: {  	_ =	shalt  }
0x45: {  	_ =	shalt  }
0x46: {  	_ =	shalt  }
0x47: {  	_ =	shalt  }
0x48: {  	_ =	shalt  }
0x49: {  	_ =	shalt  }
0x4a: {  	_ =	shalt  }
0x4b: {  	_ =	shalt  }
0x4c: {  	_ =	shalt  }
0x4d: {  	_ =	shalt  }
0x4e: {  	_ =	shalt  }
0x4f: {  	_ =	shalt  }
0x50: {  	_ =	shalt  }
0x51: {  	_ =	shalt  }
0x52: {  	_ =	shalt  }
0x53: {  	_ =	shalt  }
0x54: {  	_ =	shalt  }
0x55: {  	_ =	shalt  }
0x56: {  	_ =	shalt  }
0x57: {  	_ =	shalt  }
0x58: {  	_ =	shalt  }
0x59: {  	_ =	shalt  }
0x5a: {  	_ =	shalt  }
0x5b: {  	_ =	shalt  }
0x5c: {  	_ =	shalt  }
0x5d: {  	_ =	shalt  }
0x5e: {  	_ =	shalt  }
0x5f: {  	_ =	shalt  }
0x60: {  	_ =	shalt  }
0x61: {  	_ =	shalt  }
0x62: {  	_ =	shalt  }
0x63: {  	_ =	shalt  }
0x64: {  	_ =	shalt  }
0x65: {  	_ =	shalt  }
0x66: {  	_ =	shalt  }
0x67: {  	_ =	shalt  }
0x68: {  	_ =	shalt  }
0x69: {  	_ =	shalt  }
0x6a: {  	_ =	shalt  }
0x6b: {  	_ =	shalt  }
0x6c: {  	_ =	shalt  }
0x6d: {  	_ =	shalt  }
0x6e: {  	_ =	shalt  }
0x6f: {  	_ =	shalt  }
0x70: {  	_ =	shalt  }
0x71: {  	_ =	shalt  }
0x72: {  	_ =	shalt  }
0x73: {  	_ =	shalt  }
0x74: {  	_ =	shalt  }
0x75: {  	_ =	shalt  }
0x76: {  	_ =	shalt  }
0x77: {  	_ =	shalt  }
0x78: {  	_ =	shalt  }
0x79: {  	_ =	shalt  }
0x7a: {  	_ =	shalt  }
0x7b: {  	_ =	shalt  }
0x7c: {  	_ =	shalt  }
0x7d: {  	_ =	shalt  }
0x7e: {  	_ =	shalt  }
0x7f: {  	_ =	shalt  }
0x80: {  	_ =	shalt  }
0x81: {  	_ =	shalt  }
0x82: {  	_ =	shalt  }
0x83: {  	_ =	shalt  }
0x84: {  	_ =	shalt  }
0x85: {  	_ =	shalt  }
0x86: {  	_ =	shalt  }
0x87: {  	_ =	shalt  }
.Lfunc_end0:
.L_simem_size_0:
called_computation_lowered:
.L_overlay_start_0:
0x88: {  	s2 =	sld [smem:$0x3FD9]  }
0x89: {  	s3 =	sld [smem:$0x3FFE];
	_ =	sdelay $0x1  }
0x8a: {  	s1 =	srdreg.scid  }
0x8b: {  	s0 =	sand.u32 $0x1, s1  }
0x8c: {  	s18 =	sshll.u32 s0, $0xA;
	s2 =	sadd.s32 s3, s2  }
0x8d: {  	s2 =	sadd.s32 s2, s18  }
0x8e: {  	[smem:$0x3FC7] =	sst s2  }
0x8f: {  	_ = 	snop  }
0x90: {  	s2 =	sld [smem:$0x3FC9]  }
0x91: {  	s19 =	sld [smem:$0x3FD0];
	(tm) =	ssettm $0x1  }
0x92: {  	s4 =	sld [smem:$0x3FFB];
	_ =	sdelay $0x3  }
0x93: {  	_ =	strace s4  }
0x94: {  	s4 =	sld [smem:$0x3FFC];
	_ =	sdelay $0x3  }
0x95: {  	_ =	strace s4  }
0x96: {  	s4 =	sld [smem:$0x3FFD];
	_ =	sdelay $0x3  }
0x97: {  	_ =	strace s4  }
0x98: {  	_ =	strace $0x8FFFFFFF  }
0x99: {  	s20 =	sld [smem:$0x3FDB];
	_ =	sdelay $0x1  }
0x9a: {  	s5 =	simm.s32 $_scs_section_size  }
0x9b: {  	s6 =	simm.s32 $_size__tile_overlayer_lowered;
	s7 =	simm.s32 $_tile_overlayer_lowered  }
0x9c: {  	s23 =	simm.s32 $0x1BFF;
	s22 =	sshll.u32 s7, $0x1;
	s4 =	sadd.s32 s5, s20  }
0x9d: {  	s8 =	simm.s32 $0x0;
	s21 =	sshll.u32 s6, $0x1;
	s6 =	sadd.s32 s22, s4  }
0x9e: {  	[timem:s8], [sflag:s23] =	dma.local [hbm:s6], s21  }
0x9f: {  	_ =	swait.ge [sflag:s23], s21  }
0xa0: {  	s5 =	ssub.s32 $0x0, s21;
	[sflag:s23] =	ssyncset.done $0x0  }
0xa1: {  	[sflag:s23] =	ssyncadd.s32 s5;
	_ =	sdelay $0x1  }
0xa2: {  	s24 =	simm.s32 $0x1B8B  }
0xa3: {  	_ =	swait.ge [sflag:s24], $0x1  }
0xa4: {  	[sflag:s24] =	ssyncset.done $0x0  }
0xa5: {  	s25 =	simm.s32 $0x1B8E;
	[sflag:s24] =	ssyncadd.s32 $0xFFFFFFFF  }
0xa6: {  	s26 =	simm.s32 $execute0_lowered;
	[smem:$0x3FD2] =	sst s25  }
0xa7: {  	s5 =	sshll.u32 s26, $0x1;
	_ =	strace $0x80000046;
	[dreg:$0x1] =	wrdreg $0xFFFFFFFF  }
0xa8: {  	s28 =	simm.s32 $_size_execute0_lowered;
	s4 =	sadd.s32 s4, s5;
	[dreg:$0x0] =	wrdreg $0x0  }
0xa9: {  	s5 =	sshll.u32 s28, $0x1;
	[dreg:$0x2] =	wrdreg s4  }
0xaa: {  	[dreg:$0x3] =	wrdreg s5  }
0xab: {  	[dreg:$0x4] =	wrdreg $0xC0  }
0xac: {  	_ =	task [dreg:s8], $0x5FFFF  }
0xad: {  	[dreg:$0x1] =	wrdreg $0xFFFFFFFF  }
0xae: {  	[dreg:$0x0] =	wrdreg $0x60  }
0xaf: {  	[dreg:$0x2] =	wrdreg s2  }
0xb0: {  	[dreg:$0x3] =	wrdreg s19  }
0xb1: {  	[dreg:$0x4] =	wrdreg $0x9  }
0xb2: {  	_ =	task.clear_ibuf [dreg:s8], $0x5FFFF;
	_ =	strace $0x90000046  }
0xb3: {  	s29 =	simm.s32 $0x9;
	_ =	strace $0x80000048  }
0xb4: {  	_ =	swait.ge [sflag:s29], $0x1  }
0xb5: {  	[sflag:s29] =	ssyncadd.s32 $0xFFFFFFFF  }
0xb6: {  	_ =	strace $0x90000048  }
0xb7: {  	_ =	sfence  }
0xb8: {  	s30 =	sld [smem:$0x0];
	_ =	sdelay $0x2  }
0xb9: {  	s31 =	sshll.u32 s1, $0xD;
	s1 =	sshrl.u32 s1, $0x2  }
0xba: {  	s3 =	sand.u32 $0x4000, s31;
	s1 =	sadd.s32 s1, s30  }
0xbb: {  	s0 =	sor.u32 s3, s0;
	s1 =	sshll.u32 s1, $0x11  }
0xbc: {  	s0 =	sor.u32 s1, s0  }
0xbd: {  	s0 =	sadd.s32 $0x8F2B, s0  }
0xbe: {  	[sflag:s0] =	ssyncadd.remote.s32 $0x1  }
0xbf: {  	_ =	sfence.sel $0xFFFF  }
0xc0: {  	[dreg:$0x0] =	wrdreg $0xFFFFFFFF;
	(pc) =	sbr.abs _section_cstart, $3  }
0xc1: {  	[dreg:$0x1] =	wrdreg $0xFFFFFFFF  }
0xc2: {  	_ =	task.clear_ibuf [dreg:s8], $0x2FFFF;
	_ =	strace $0x9FFFFFFF  }
0xc3: {  	(tm) =	ssettm $0x7FFFFFFF  }
tec
execute0_lowered:
.L_overlay_start_1:
0x0: {  	(tag) =	ssettag $0x1  }
0x1: {  	s0 =	stileid.u32  }
0x2: {  	s1 =	srdreg.scid;
	s3 =	rddreg [dreg:$0x1]  }
0x3: {  	v0 =	vlaneseq.u32;
	s4 =	simm.s32 $0x0;
	s14 =	simm.s32 $0x4000;
	s15 =	simm.s32 $0x8000  }
0x4: {  	s16 =	simm.s32 $0xC000;
	s17 =	simm.s32 $0x1;
	s18 =	simm.s32 $0x14000;
	v6 =	vmul.u32 $0x2, v0;
	v10 =	vor.u32 $0x10, v0;
	v11 =	vor.u32 $0x90, v0  }
0x5: {  	s19 =	simm.s32 $0x18000;
	s20 =	simm.s32 $0x2;
	s21 =	simm.s32 $0x3;
	v12 =	vor.u32 $0x20, v0;
	v13 =	vor.u32 $0xA0, v0;
	v14 =	vor.u32 $0x30, v0  }
0x6: {  	s22 =	simm.s32 $0x0;
	s2 =	sshll.u32 s0, $0x1;
	s5 =	sand.u32 $0x1, s1;
	v15 =	vor.u32 $0xB0, v0;
	v16 =	vor.u32 $0x40, v0;
	v17 =	vor.u32 $0xC0, v0  }
0x7: {  	[smem:$0x7FF] =	sst s4;
	s28 =	sshll.u32 s0, $0x14;
	v18 =	vor.u32 $0x50, v0;
	v19 =	vor.u32 $0xD0, v0;
	v20 =	vor.u32 $0x60, v0;
	s26 =	sand.u32 $0x6, s2  }
0x8: {  	v21 =	vor.u32 $0xE0, v0;
	s2 =	rddreg [dreg:$0x0];
	_ =	strace $0x80000047;
	s9 =	ssub.s32 $0x2, s5;
	v1 =	vadd.s32 $0xFFFFFFFE, v6;
	v2 =	vadd.s32 $0x1E, v6  }
0x9: {  	s6 =	sor.u32 s5, s26;
	s5 =	sand.u32 $0xC00000, s28;
	v3 =	vadd.s32 $0x3E, v6;
	v4 =	vadd.s32 $0x5E, v6;
	v5 =	vadd.s32 $0x7E, v6;
	s12 =	sshrl.u32 s9, $0x1  }
0xa: {  	v7 =	vadd.s32 $0x9E, v6;
	v8 =	vadd.s32 $0xBE, v6;
	v6 =	vadd.s32 $0xDE, v6;
	s7 =	sshll.u32 s6, $0x8;
	s11 =	sshll.u32 s6, $0x12;
	s10 =	smul.u32 $0x3C0000, s6  }
0xb: {  	s6 =	sshll.u32 s6, $0xA;
	s12 =	ssub.s32 s9, s12;
	v1 =	vadd.s32 s7, v1;
	v2 =	vor.u32 s7, v2;
	s13 =	ssub.s32 s5, s11;
	v3 =	vor.u32 s7, v3  }
0xc: {  	s8 =	sadd.s32 $0x100, s7;
	v4 =	vor.u32 s7, v4;
	v5 =	vor.u32 s7, v5;
	s5 =	sor.u32 s5, s6;
	v7 =	vor.u32 s7, v7;
	s13 =	sor.u32 s6, s13  }
0xd: {  	v8 =	vor.u32 s7, v8;
	v9 =	vor.u32 s7, v6;
	s11 =	sxor.u32 $0x3C0000, s11;
	vm0 =	vgt.s32 v1, $0x0;
	s10 =	sand.u32 $0x3C0000, s10;
	s29 =	sadd.s32 $0x3C0000, s13  }
0xe: {  	v2 =	vsub.s32 s8, v2;
	v3 =	vsub.s32 s8, v3;
	v4 =	vsub.s32 s8, v4;
	s30 =	sor.u32 s10, s5;
	s31 =	sadd.s32 $0x3E0000, s13;
	s13 =	simm.s32 $0x2000  }
0xf: {  	v5 =	vsub.s32 s8, v5;
	v6 =	vsub.s32 s8, v7;
	v1 =	vnsel vm0, $0x0, v1;
	s6 =	sshrl.u32 s29, $0x3;
	s9 =	sshrl.u32 s30, $0x3;
	s10 =	sshrl.u32 s31, $0x3  }
0x10: {  	v7 =	vsub.s32 s8, v8;
	v8 =	vsub.s32 s8, v9;
	v1 =	vsub.s32 s8, v1;
	s6 =	sadd.s32 s2, s6;
	s7 =	sadd.s32 s2, s9;
	s8 =	sadd.s32 s2, s10  }
0x11: {  	v22 =	vor.u32 $0x70, v0;
	v23 =	vor.u32 $0xF0, v0;
	v9 =	vor.u32 $0x80, v0;
	s10 =	smax.u32 s12, $0x1;
	s12 =	simm.s32 $0x400;
	s9 =	sadd.s32 $0x4000, s7  }
.LBB2_1:
0x12: {  	[tilespmem:s4], [sflag:$0x1] =	stream.strided.gather [hbm4b:s6+s12], $0x4000, s13, s12, $0x38;
	[tilespmem:$0x1C000] =	vst v63  }
0x13: {  	_ = 	snop  }
0x14: {  	[tilespmem:s14], [sflag:$0x1] =	stream.strided.gather [hbm4b:s8+s12], $0x4000, s13, s12, $0x38;
	[tilespmem:$0x1C000] =	vst v63  }
0x15: {  	_ = 	snop  }
0x16: {  	[tilespmem:s15], [sflag:$0x1] =	stream.strided.gather [hbm4b:s7+s12], $0x4000, s13, s12, $0x38;
	[tilespmem:$0x1C000] =	vst v63  }
0x17: {  	_ = 	snop  }
0x18: {  	[tilespmem:s16], [sflag:$0x1] =	stream.strided.gather [hbm4b:s9+s12], $0x4000, s13, s12, $0x38;
	[tilespmem:$0x1C000] =	vst v63  }
0x19: {  	_ =	swait.ge [sflag:s17], $0x4000  }
0x1a: {  	[sflag:s17] =	ssyncset.done $0x0  }
0x1b: {  	[sflag:s17] =	ssyncadd.s32 $0xFFFFC000  }
0x1c: {  	_ =	swait.ge [sflag:s17], $0x4000  }
0x1d: {  	[sflag:s17] =	ssyncset.done $0x0  }
0x1e: {  	[sflag:s17] =	ssyncadd.s32 $0xFFFFC000  }
0x1f: {  	_ =	swait.ge [sflag:s17], $0x4000  }
0x20: {  	[sflag:s17] =	ssyncset.done $0x0  }
0x21: {  	[sflag:s17] =	ssyncadd.s32 $0xFFFFC000  }
0x22: {  	_ =	swait.ge [sflag:s17], $0x4000  }
0x23: {  	s23 =	simm.s32 $0x80;
	[sflag:s17] =	ssyncset.done $0x0  }
0x24: {  	s24 =	simm.s32 $0x0;
	s25 =	simm.s32 $0x0;
	[sflag:s17] =	ssyncadd.s32 $0xFFFFC000  }
.LBB2_2:
0x25: {  	s28 =	sshll.u32 s25, $0x1  }
0x26: {  	s30 =	smulhi.u32 $0xCCCCCCCD, s24;
	s29 =	sadd.s32 $0x4, s28  }
0x27: {  	s26 =	smul.u32 $0xCD, s29  }
0x28: {  	s30 =	sshrl.u32 s30, $0x9  }
0x29: {  	s30 =	smul.u32 $0x280, s30;
	s26 =	sshrl.u32 s26, $0xA  }
0x2a: {  	s31 =	sshll.u32 s29, $0x11;
	s26 =	sand.u32 $0x3F, s26  }
0x2b: {  	s31 =	sadd.s32 s11, s31;
	s1 =	smul.u32 $0x5, s26;
	s26 =	ssub.s32 s24, s30  }
0x2c: {  	s31 =	sand.u32 $0x3C0000, s31;
	v24 =	vadd.s32 s26, v1  }
0x2d: {  	s1 =	ssub.s32 s29, s1;
	s29 =	sor.u32 s31, s5;
	v25 =	vshll.u32 v24, $0x7  }
0x2e: {  	vm0 =	vgt.s32 v24, $0x27F;
	s1 =	sand.u32 $0xFF, s1;
	s29 =	sshrl.u32 s29, $0x3;
	v24 =	vadd.s32 $0xFFFEC000, v25  }
0x2f: {  	p1 =	seq.s32 s25, $0x0;
	s1 =	sshll.u32 s1, $0xE;
	s29 =	sadd.s32 s2, s29;
	v24 =	vsel vm0, v24, v25  }
0x30: {  	[tilespmem:s1], [sflag:$0x1] =	stream.strided.gather [hbm4b:s29+s12], $0x4000, s13, s12, $0x38;
	v25 =	vor.u32 v0, v24;
	[tilespmem:$0x1C000] =	vst v63  }
0x31: {  	s1 =	simm.s32 @!p1 $0x2;
	v24 =	vadd.s32 v9, v24  }
0x32: {  	_ =	swait.ge @!p1 [sflag:s1], $0x4000  }
0x33: {  	[sflag:s1] =	ssyncset.done @!p1 $0x0  }
0x34: {  	[sflag:s1] =	ssyncadd.s32 @!p1 $0xFFFFC000  }
0x35: {  	v26 =	vadd.s32 s26, v2;
	v25 =	vld.idx.msk [tilespmem:v25+s4+$0x0], $0xffff  }
0x36: {  	v27 =	vshll.u32 v26, $0x7;
	v24 =	vld.idx.msk [tilespmem:v24+s4+$0x0], $0xffff  }
0x37: {  	vm9 =	vgt.s32 v26, $0x27F;
	v26 =	vadd.s32 $0xFFFEC000, v27  }
0x38: {  	v26 =	vsel vm9, v26, v27  }
0x39: {  	v27 =	vor.u32 v10, v26  }
0x3a: {  	v26 =	vadd.s32 v11, v26  }
0x3b: {  	s29 =	simm.s32 $0x0;
	v28 =	vmax.f32 v25, v24  }
0x3c: {  	v24 =	vmin.f32 v25, v24;
	[tilespmem:s29+$0x14080] =	vst v28  }
0x3d: {  	[tilespmem:s29+$0x14000] =	vst v24  }
0x3e: {  	v24 =	vadd.s32 s26, v3;
	v25 =	vld.idx.msk [tilespmem:v27+s4+$0x0], $0xffff  }
0x3f: {  	v27 =	vshll.u32 v24, $0x7;
	v26 =	vld.idx.msk [tilespmem:v26+s4+$0x0], $0xffff  }
0x40: {  	vm10 =	vgt.s32 v24, $0x27F;
	v24 =	vadd.s32 $0xFFFEC000, v27  }
0x41: {  	v24 =	vsel vm10, v24, v27  }
0x42: {  	v27 =	vor.u32 v12, v24  }
0x43: {  	v24 =	vadd.s32 v13, v24  }
0x44: {  	v59 =	vmin.f32 v25, v26  }
0x45: {  	v25 =	vmax.f32 v25, v26;
	[tilespmem:s29+$0x14010] =	vst v59  }
0x46: {  	[tilespmem:s29+$0x14090] =	vst v25  }
0x47: {  	v25 =	vadd.s32 s26, v4;
	v26 =	vld.idx.msk [tilespmem:v27+s4+$0x0], $0xffff  }
0x48: {  	v27 =	vshll.u32 v25, $0x7;
	v24 =	vld.idx.msk [tilespmem:v24+s4+$0x0], $0xffff  }
0x49: {  	vm11 =	vgt.s32 v25, $0x27F;
	v25 =	vadd.s32 $0xFFFEC000, v27  }
0x4a: {  	v25 =	vsel vm11, v25, v27  }
0x4b: {  	v27 =	vor.u32 v14, v25  }
0x4c: {  	v25 =	vadd.s32 v15, v25  }
0x4d: {  	v60 =	vmin.f32 v26, v24  }
0x4e: {  	v24 =	vmax.f32 v26, v24;
	[tilespmem:s29+$0x14020] =	vst v60  }
0x4f: {  	[tilespmem:s29+$0x140A0] =	vst v24  }
0x50: {  	v24 =	vadd.s32 s26, v5;
	v26 =	vld.idx.msk [tilespmem:v27+s4+$0x0], $0xffff  }
0x51: {  	v27 =	vshll.u32 v24, $0x7;
	v25 =	vld.idx.msk [tilespmem:v25+s4+$0x0], $0xffff  }
0x52: {  	vm12 =	vgt.s32 v24, $0x27F;
	v24 =	vadd.s32 $0xFFFEC000, v27  }
0x53: {  	v24 =	vsel vm12, v24, v27  }
0x54: {  	v27 =	vor.u32 v16, v24  }
0x55: {  	v24 =	vadd.s32 v17, v24  }
0x56: {  	v61 =	vmin.f32 v26, v25  }
0x57: {  	v25 =	vmax.f32 v26, v25;
	[tilespmem:s29+$0x14030] =	vst v61  }
0x58: {  	[tilespmem:s29+$0x140B0] =	vst v25  }
0x59: {  	v25 =	vadd.s32 s26, v6;
	v26 =	vld.idx.msk [tilespmem:v27+s4+$0x0], $0xffff  }
0x5a: {  	v27 =	vshll.u32 v25, $0x7;
	v24 =	vld.idx.msk [tilespmem:v24+s4+$0x0], $0xffff  }
0x5b: {  	vm13 =	vgt.s32 v25, $0x27F;
	v25 =	vadd.s32 $0xFFFEC000, v27  }
0x5c: {  	v25 =	vsel vm13, v25, v27  }
0x5d: {  	v27 =	vor.u32 v18, v25  }
0x5e: {  	v25 =	vadd.s32 v19, v25  }
0x5f: {  	v62 =	vmin.f32 v26, v24  }
0x60: {  	v24 =	vmax.f32 v26, v24;
	[tilespmem:s29+$0x14040] =	vst v62  }
0x61: {  	[tilespmem:s29+$0x140C0] =	vst v24  }
0x62: {  	v24 =	vadd.s32 s26, v7;
	v26 =	vld.idx.msk [tilespmem:v27+s4+$0x0], $0xffff  }
0x63: {  	v27 =	vshll.u32 v24, $0x7;
	v25 =	vld.idx.msk [tilespmem:v25+s4+$0x0], $0xffff  }
0x64: {  	vm14 =	vgt.s32 v24, $0x27F;
	v24 =	vadd.s32 $0xFFFEC000, v27  }
0x65: {  	v24 =	vsel vm14, v24, v27  }
0x66: {  	v27 =	vor.u32 v20, v24  }
0x67: {  	v63 =	vadd.s32 v21, v24  }
0x68: {  	v24 =	vmin.f32 v26, v25  }
0x69: {  	v29 =	vadd.s32 s26, v8;
	v25 =	vmax.f32 v26, v25;
	[tilespmem:s29+$0x14050] =	vst v24  }
0x6a: {  	v24 =	vshll.u32 v29, $0x7;
	[tilespmem:s29+$0x140D0] =	vst v25  }
0x6b: {  	vm15 =	vgt.s32 v29, $0x27F;
	v26 =	vadd.s32 $0xFFFEC000, v24;
	v25 =	vld.idx.msk [tilespmem:v27+s4+$0x0], $0xffff  }
0x6c: {  	s30 =	smov.u32 s24;
	s26 =	simm.s32 $0x400;
	v24 =	vsel vm15, v26, v24;
	v26 =	vld.idx.msk [tilespmem:v63+s4+$0x0], $0xffff  }
.LBB2_3:
0x6d: {  	p0 =	sne.s32 s26, $0xFC00  }
0x6e: {  	s30 =	sadd.s32 $0x2, s30;
	s31 =	smov.u32 s26;
	s26 =	sadd.s32 $0x400, s26  }
0x6f: {  	_ = 	snop  }
0x70: {  	s1 =	smulhi.u32 $0xCCCCCCCD, s30  }
0x71: {  	v27 =	vor.u32 v22, v24  }
0x72: {  	v24 =	vadd.s32 v23, v24;
	s1 =	sshrl.u32 s1, $0x9  }
0x73: {  	s1 =	smul.u32 $0x280, s1;
	v28 =	vmin.f32 v25, v26;
	v25 =	vmax.f32 v25, v26  }
0x74: {  	[tilespmem:s29+$0x14060] =	vst v28  }
0x75: {  	s1 =	ssub.s32 s30, s1;
	[tilespmem:s29+$0x140E0] =	vst v25  }
0x76: {  	v25 =	vadd.s32 s1, v1;
	v26 =	vadd.s32 s1, v2;
	v28 =	vadd.s32 s1, v3;
	v27 =	vld.idx.msk [tilespmem:v27+s4+$0x0], $0xffff  }
0x77: {  	v29 =	vshll.u32 v25, $0x7;
	v30 =	vshll.u32 v26, $0x7;
	v31 =	vshll.u32 v28, $0x7;
	v24 =	vld.idx.msk [tilespmem:v24+s4+$0x0], $0xffff  }
0x78: {  	vm0 =	vgt.s32 v25, $0x27F;
	vm1 =	vgt.s32 v26, $0x27F;
	v25 =	vadd.s32 $0xFFFEC000, v29  }
0x79: {  	v26 =	vadd.s32 $0xFFFEC000, v30;
	v25 =	vsel vm0, v25, v29;
	vm0 =	vgt.s32 v28, $0x27F  }
0x7a: {  	v29 =	vadd.s32 $0xFFFEC000, v31;
	v28 =	vor.u32 v0, v25;
	v25 =	vadd.s32 v9, v25  }
0x7b: {  	v26 =	vsel vm1, v26, v30;
	v30 =	vadd.s32 s1, v4;
	v29 =	vsel vm0, v29, v31  }
0x7c: {  	vm0 =	vgt.s32 v30, $0x27F;
	v30 =	vshll.u32 v30, $0x7;
	v31 =	vadd.s32 s1, v5  }
0x7d: {  	v32 =	vadd.s32 $0xFFFEC000, v30;
	v33 =	vmin.f32 v27, v24;
	v24 =	vmax.f32 v27, v24  }
0x7e: {  	v27 =	vsel vm0, v32, v30;
	v30 =	vshll.u32 v31, $0x7;
	v32 =	vadd.s32 s1, v6;
	[tilespmem:s29+$0x14070] =	vst v33  }
0x7f: {  	vm0 =	vgt.s32 v31, $0x27F;
	v31 =	vadd.s32 $0xFFFEC000, v30;
	v33 =	vshll.u32 v32, $0x7;
	[tilespmem:s29+$0x140F0] =	vst v24  }
0x80: {  	v30 =	vsel vm0, v31, v30;
	vm0 =	vgt.s32 v32, $0x27F;
	v24 =	vadd.s32 $0xFFFEC000, v33;
	v28 =	vld.idx.msk [tilespmem:v28+s4+$0x0], $0xffff  }
0x81: {  	v32 =	vadd.s32 s1, v8;
	v31 =	vsel vm0, v24, v33;
	v24 =	vadd.s32 s1, v7;
	v25 =	vld.idx.msk [tilespmem:v25+s4+$0x0], $0xffff  }
0x82: {  	vm0 =	vgt.s32 v32, $0x27F;
	v32 =	vshll.u32 v32, $0x7;
	v33 =	vshll.u32 v24, $0x7  }
0x83: {  	vm1 =	vgt.s32 v24, $0x27F;
	v34 =	vadd.s32 $0xFFFEC000, v32;
	v24 =	vadd.s32 $0xFFFEC000, v33  }
0x84: {  	v35 =	vor.u32 v10, v26;
	v33 =	vsel vm1, v24, v33;
	v24 =	vsel vm0, v34, v32;
	_ =	sdelay $0x1  }
0x85: {  	v26 =	vadd.s32 v11, v26  }
0x86: {  	s29 =	sshra.s32 s31, $0x2;
	v32 =	vmin.f32 v28, v25;
	v25 =	vmax.f32 v28, v25  }
0x87: {  	[tilespmem:s29+$0x14080] =	vst v25  }
0x88: {  	[tilespmem:s29+$0x14000] =	vst v32  }
0x89: {  	v25 =	vld.idx.msk [tilespmem:v35+s4+$0x0], $0xffff  }
0x8a: {  	v26 =	vld.idx.msk [tilespmem:v26+s4+$0x0], $0xffff;
	_ =	sdelay $0x2  }
0x8b: {  	v28 =	vor.u32 v12, v29;
	v29 =	vadd.s32 v13, v29;
	_ =	sdelay $0x2  }
0x8c: {  	v32 =	vmin.f32 v25, v26;
	v25 =	vmax.f32 v25, v26  }
0x8d: {  	[tilespmem:s29+$0x14010] =	vst v32  }
0x8e: {  	[tilespmem:s29+$0x14090] =	vst v25  }
0x8f: {  	v25 =	vld.idx.msk [tilespmem:v28+s4+$0x0], $0xffff  }
0x90: {  	v26 =	vld.idx.msk [tilespmem:v29+s4+$0x0], $0xffff;
	_ =	sdelay $0x3  }
0x91: {  	v28 =	vor.u32 v14, v27  }
0x92: {  	v27 =	vadd.s32 v15, v27  }
0x93: {  	v29 =	vmin.f32 v25, v26;
	v25 =	vmax.f32 v25, v26  }
0x94: {  	[tilespmem:s29+$0x14020] =	vst v29  }
0x95: {  	[tilespmem:s29+$0x140A0] =	vst v25  }
0x96: {  	v25 =	vld.idx.msk [tilespmem:v28+s4+$0x0], $0xffff  }
0x97: {  	v26 =	vld.idx.msk [tilespmem:v27+s4+$0x0], $0xffff;
	_ =	sdelay $0x3  }
0x98: {  	v27 =	vor.u32 v16, v30  }
0x99: {  	v28 =	vadd.s32 v17, v30  }
0x9a: {  	v29 =	vmin.f32 v25, v26;
	v25 =	vmax.f32 v25, v26  }
0x9b: {  	[tilespmem:s29+$0x14030] =	vst v29  }
0x9c: {  	[tilespmem:s29+$0x140B0] =	vst v25  }
0x9d: {  	v25 =	vld.idx.msk [tilespmem:v27+s4+$0x0], $0xffff  }
0x9e: {  	v26 =	vld.idx.msk [tilespmem:v28+s4+$0x0], $0xffff;
	_ =	sdelay $0x3  }
0x9f: {  	v27 =	vor.u32 v18, v31  }
0xa0: {  	v28 =	vadd.s32 v19, v31  }
0xa1: {  	v29 =	vmin.f32 v25, v26;
	v25 =	vmax.f32 v25, v26  }
0xa2: {  	[tilespmem:s29+$0x14040] =	vst v29  }
0xa3: {  	[tilespmem:s29+$0x140C0] =	vst v25  }
0xa4: {  	v25 =	vld.idx.msk [tilespmem:v27+s4+$0x0], $0xffff  }
0xa5: {  	v26 =	vld.idx.msk [tilespmem:v28+s4+$0x0], $0xffff;
	_ =	sdelay $0x3  }
0xa6: {  	v27 =	vor.u32 v20, v33  }
0xa7: {  	v28 =	vadd.s32 v21, v33  }
.Ltmp0:
0xa8: {  	v29 =	vmin.f32 v25, v26;
	v25 =	vmax.f32 v25, v26;
	(pc) =	sbr.rel @p0 .LBB2_3-.Ltmp0, $4  }
0xa9: {  	[tilespmem:s29+$0x14050] =	vst v29  }
0xaa: {  	[tilespmem:s29+$0x140D0] =	vst v25  }
0xab: {  	v25 =	vld.idx.msk [tilespmem:v27+s4+$0x0], $0xffff  }
0xac: {  	v26 =	vld.idx.msk [tilespmem:v28+s4+$0x0], $0xffff  }
0xad: {  	_ =	sdelay $0x1  }
0xae: {  	v27 =	vor.u32 v22, v24  }
0xaf: {  	v24 =	vadd.s32 v23, v24  }
0xb0: {  	v28 =	vmin.f32 v25, v26  }
0xb1: {  	v25 =	vmax.f32 v25, v26;
	[tilespmem:s29+$0x14060] =	vst v28  }
0xb2: {  	[tilespmem:s29+$0x140E0] =	vst v25  }
0xb3: {  	v25 =	vld.idx.msk [tilespmem:v27+s4+$0x0], $0xffff  }
0xb4: {  	v24 =	vld.idx.msk [tilespmem:v24+s4+$0x0], $0xffff;
	_ =	sdelay $0x2  }
0xb5: {  	s26 =	sor.u32 $0x1, s28  }
0xb6: {  	s1 =	sshll.u32 s25, $0x12;
	p0 =	sgt.u32 s26, $0x1E  }
0xb7: {  	s1 =	sadd.s32 s5, s1;
	s28 =	sadd.s32 @!p0 $0x5, s28;
	v26 =	vmin.f32 v25, v24  }
0xb8: {  	s1 =	sshrl.u32 s1, $0x3;
	s30 =	smul.u32 @!p0 $0xCD, s28;
	v24 =	vmax.f32 v25, v24;
	[tilespmem:s29+$0x14070] =	vst v26  }
0xb9: {  	s1 =	sadd.s32 s3, s1;
	[tilespmem:s29+$0x140F0] =	vst v24;
	s29 =	smulhi.u32 $0xCCCCCCCD, s23  }
0xba: {  	[hbm4b:s1+s12] =	stream.strided.scatter [tilespmem:s18], [sflag:$0x2], $0x4000, s13, s12, $0x38;
	[tilespmem:$0x1C000] =	vst v63  }
0xbb: {  	s29 =	sshrl.u32 s29, $0x9  }
0xbc: {  	s1 =	sshrl.u32 @!p0 s30, $0xA;
	s29 =	smul.u32 $0x280, s29  }
0xbd: {  	s30 =	sshll.u32 @!p0 s28, $0x11;
	s1 =	sand.u32 @!p0 $0x3F, s1  }
0xbe: {  	s30 =	sadd.s32 @!p0 s11, s30;
	s1 =	smul.u32 @!p0 $0x5, s1;
	s29 =	ssub.s32 s23, s29  }
0xbf: {  	s31 =	simm.s32 @!p0 $0x2000;
	_ =	swait.ge [sflag:s17], $0x4000;
	s30 =	sand.u32 @!p0 $0x3E0000, s30;
	v24 =	vadd.s32 s29, v1  }
0xc0: {  	[sflag:s17] =	ssyncset.done $0x0;
	s1 =	ssub.s32 @!p0 s28, s1;
	s28 =	sor.u32 @!p0 s30, s5;
	v25 =	vshll.u32 v24, $0x7  }
0xc1: {  	[sflag:s17] =	ssyncadd.s32 $0xFFFFC000;
	s1 =	sand.u32 @!p0 $0xFF, s1;
	s28 =	sshrl.u32 @!p0 s28, $0x3;
	vm0 =	vgt.s32 v24, $0x27F;
	v24 =	vadd.s32 $0xFFFEC000, v25  }
0xc2: {  	s30 =	simm.s32 @!p0 $0x400;
	s1 =	sshll.u32 @!p0 s1, $0xE;
	s28 =	sadd.s32 @!p0 s2, s28;
	v24 =	vsel vm0, v24, v25  }
0xc3: {  	[tilespmem:s1], [sflag:$0x1] =	stream.strided.gather @!p0 [hbm4b:s28+s30], $0x4000, s31, s30, $0x38;
	v25 =	vor.u32 v0, v24;
	[tilespmem:$0x1C000] =	vst v63  }
0xc4: {  	s1 =	simm.s32 @!p1 $0x3;
	v24 =	vadd.s32 v9, v24  }
0xc5: {  	_ =	swait.ge @!p1 [sflag:s1], $0x4000  }
0xc6: {  	[sflag:s1] =	ssyncset.done @!p1 $0x0  }
0xc7: {  	[sflag:s1] =	ssyncadd.s32 @!p1 $0xFFFFC000  }
0xc8: {  	v26 =	vadd.s32 s29, v2;
	v25 =	vld.idx.msk [tilespmem:v25+s4+$0x0], $0xffff  }
0xc9: {  	v27 =	vshll.u32 v26, $0x7;
	v24 =	vld.idx.msk [tilespmem:v24+s4+$0x0], $0xffff  }
0xca: {  	vm9 =	vgt.s32 v26, $0x27F;
	v26 =	vadd.s32 $0xFFFEC000, v27  }
0xcb: {  	v26 =	vsel vm9, v26, v27  }
0xcc: {  	v27 =	vor.u32 v10, v26  }
0xcd: {  	v26 =	vadd.s32 v11, v26  }
0xce: {  	s28 =	simm.s32 $0x0;
	v58 =	vmax.f32 v25, v24  }
0xcf: {  	v24 =	vmin.f32 v25, v24;
	[tilespmem:s28+$0x18080] =	vst v58  }
0xd0: {  	[tilespmem:s28+$0x18000] =	vst v24  }
0xd1: {  	v24 =	vadd.s32 s29, v3;
	v25 =	vld.idx.msk [tilespmem:v27+s4+$0x0], $0xffff  }
0xd2: {  	v27 =	vshll.u32 v24, $0x7;
	v26 =	vld.idx.msk [tilespmem:v26+s4+$0x0], $0xffff  }
0xd3: {  	vm10 =	vgt.s32 v24, $0x27F;
	v24 =	vadd.s32 $0xFFFEC000, v27  }
0xd4: {  	v24 =	vsel vm10, v24, v27  }
0xd5: {  	v27 =	vor.u32 v12, v24  }
0xd6: {  	v24 =	vadd.s32 v13, v24  }
0xd7: {  	v59 =	vmin.f32 v25, v26  }
0xd8: {  	v25 =	vmax.f32 v25, v26;
	[tilespmem:s28+$0x18010] =	vst v59  }
0xd9: {  	[tilespmem:s28+$0x18090] =	vst v25  }
0xda: {  	v25 =	vadd.s32 s29, v4;
	v26 =	vld.idx.msk [tilespmem:v27+s4+$0x0], $0xffff  }
0xdb: {  	v27 =	vshll.u32 v25, $0x7;
	v24 =	vld.idx.msk [tilespmem:v24+s4+$0x0], $0xffff  }
0xdc: {  	vm11 =	vgt.s32 v25, $0x27F;
	v25 =	vadd.s32 $0xFFFEC000, v27  }
0xdd: {  	v25 =	vsel vm11, v25, v27  }
0xde: {  	v27 =	vor.u32 v14, v25  }
0xdf: {  	v25 =	vadd.s32 v15, v25  }
0xe0: {  	v60 =	vmin.f32 v26, v24  }
0xe1: {  	v24 =	vmax.f32 v26, v24;
	[tilespmem:s28+$0x18020] =	vst v60  }
0xe2: {  	[tilespmem:s28+$0x180A0] =	vst v24  }
0xe3: {  	v24 =	vadd.s32 s29, v5;
	v26 =	vld.idx.msk [tilespmem:v27+s4+$0x0], $0xffff  }
0xe4: {  	v27 =	vshll.u32 v24, $0x7;
	v25 =	vld.idx.msk [tilespmem:v25+s4+$0x0], $0xffff  }
0xe5: {  	vm12 =	vgt.s32 v24, $0x27F;
	v24 =	vadd.s32 $0xFFFEC000, v27  }
0xe6: {  	v24 =	vsel vm12, v24, v27  }
0xe7: {  	v27 =	vor.u32 v16, v24  }
0xe8: {  	v24 =	vadd.s32 v17, v24  }
0xe9: {  	v61 =	vmin.f32 v26, v25  }
0xea: {  	v25 =	vmax.f32 v26, v25;
	[tilespmem:s28+$0x18030] =	vst v61  }
0xeb: {  	[tilespmem:s28+$0x180B0] =	vst v25  }
0xec: {  	v25 =	vadd.s32 s29, v6;
	v26 =	vld.idx.msk [tilespmem:v27+s4+$0x0], $0xffff  }
0xed: {  	v27 =	vshll.u32 v25, $0x7;
	v24 =	vld.idx.msk [tilespmem:v24+s4+$0x0], $0xffff  }
0xee: {  	vm13 =	vgt.s32 v25, $0x27F;
	v25 =	vadd.s32 $0xFFFEC000, v27  }
0xef: {  	v25 =	vsel vm13, v25, v27  }
0xf0: {  	v27 =	vor.u32 v18, v25  }
0xf1: {  	v25 =	vadd.s32 v19, v25  }
0xf2: {  	v62 =	vmin.f32 v26, v24  }
0xf3: {  	v24 =	vmax.f32 v26, v24;
	[tilespmem:s28+$0x18040] =	vst v62  }
0xf4: {  	[tilespmem:s28+$0x180C0] =	vst v24  }
0xf5: {  	v24 =	vadd.s32 s29, v7;
	v26 =	vld.idx.msk [tilespmem:v27+s4+$0x0], $0xffff  }
0xf6: {  	v27 =	vshll.u32 v24, $0x7;
	v25 =	vld.idx.msk [tilespmem:v25+s4+$0x0], $0xffff  }
0xf7: {  	vm14 =	vgt.s32 v24, $0x27F;
	v24 =	vadd.s32 $0xFFFEC000, v27  }
0xf8: {  	v24 =	vsel vm14, v24, v27  }
0xf9: {  	v27 =	vor.u32 v20, v24  }
0xfa: {  	v63 =	vadd.s32 v21, v24  }
0xfb: {  	v24 =	vmin.f32 v26, v25  }
0xfc: {  	v29 =	vadd.s32 s29, v8;
	v25 =	vmax.f32 v26, v25;
	[tilespmem:s28+$0x18050] =	vst v24  }
0xfd: {  	v24 =	vshll.u32 v29, $0x7;
	[tilespmem:s28+$0x180D0] =	vst v25  }
0xfe: {  	vm15 =	vgt.s32 v29, $0x27F;
	v26 =	vadd.s32 $0xFFFEC000, v24;
	v25 =	vld.idx.msk [tilespmem:v27+s4+$0x0], $0xffff  }
0xff: {  	s30 =	smov.u32 s23;
	s29 =	simm.s32 $0x400;
	v24 =	vsel vm15, v26, v24;
	v26 =	vld.idx.msk [tilespmem:v63+s4+$0x0], $0xffff  }
.LBB2_5:
0x100: {  	p1 =	sne.s32 s29, $0xFC00  }
0x101: {  	s30 =	sadd.s32 $0x2, s30;
	s31 =	smov.u32 s29;
	s29 =	sadd.s32 $0x400, s29  }
0x102: {  	_ = 	snop  }
0x103: {  	s1 =	smulhi.u32 $0xCCCCCCCD, s30  }
0x104: {  	v27 =	vor.u32 v22, v24  }
0x105: {  	v24 =	vadd.s32 v23, v24;
	s1 =	sshrl.u32 s1, $0x9  }
0x106: {  	s1 =	smul.u32 $0x280, s1;
	v28 =	vmin.f32 v25, v26;
	v25 =	vmax.f32 v25, v26  }
0x107: {  	[tilespmem:s28+$0x18060] =	vst v28  }
0x108: {  	s1 =	ssub.s32 s30, s1;
	[tilespmem:s28+$0x180E0] =	vst v25  }
0x109: {  	v25 =	vadd.s32 s1, v1;
	v26 =	vadd.s32 s1, v2;
	v28 =	vadd.s32 s1, v3;
	v27 =	vld.idx.msk [tilespmem:v27+s4+$0x0], $0xffff  }
0x10a: {  	v29 =	vshll.u32 v25, $0x7;
	v30 =	vshll.u32 v26, $0x7;
	v31 =	vshll.u32 v28, $0x7;
	v24 =	vld.idx.msk [tilespmem:v24+s4+$0x0], $0xffff  }
0x10b: {  	vm0 =	vgt.s32 v25, $0x27F;
	vm1 =	vgt.s32 v26, $0x27F;
	v25 =	vadd.s32 $0xFFFEC000, v29  }
0x10c: {  	v26 =	vadd.s32 $0xFFFEC000, v30;
	v25 =	vsel vm0, v25, v29;
	vm0 =	vgt.s32 v28, $0x27F  }
0x10d: {  	v29 =	vadd.s32 $0xFFFEC000, v31;
	v28 =	vor.u32 v0, v25;
	v25 =	vadd.s32 v9, v25  }
0x10e: {  	v26 =	vsel vm1, v26, v30;
	v30 =	vadd.s32 s1, v4;
	v29 =	vsel vm0, v29, v31  }
0x10f: {  	vm0 =	vgt.s32 v30, $0x27F;
	v30 =	vshll.u32 v30, $0x7;
	v31 =	vadd.s32 s1, v5  }
0x110: {  	v32 =	vadd.s32 $0xFFFEC000, v30;
	v33 =	vmin.f32 v27, v24;
	v24 =	vmax.f32 v27, v24  }
0x111: {  	v27 =	vsel vm0, v32, v30;
	v30 =	vshll.u32 v31, $0x7;
	v32 =	vadd.s32 s1, v6;
	[tilespmem:s28+$0x18070] =	vst v33  }
0x112: {  	vm0 =	vgt.s32 v31, $0x27F;
	v31 =	vadd.s32 $0xFFFEC000, v30;
	v33 =	vshll.u32 v32, $0x7;
	[tilespmem:s28+$0x180F0] =	vst v24  }
0x113: {  	v30 =	vsel vm0, v31, v30;
	vm0 =	vgt.s32 v32, $0x27F;
	v24 =	vadd.s32 $0xFFFEC000, v33;
	v28 =	vld.idx.msk [tilespmem:v28+s4+$0x0], $0xffff  }
0x114: {  	v32 =	vadd.s32 s1, v8;
	v31 =	vsel vm0, v24, v33;
	v24 =	vadd.s32 s1, v7;
	v25 =	vld.idx.msk [tilespmem:v25+s4+$0x0], $0xffff  }
0x115: {  	vm0 =	vgt.s32 v32, $0x27F;
	v32 =	vshll.u32 v32, $0x7;
	v33 =	vshll.u32 v24, $0x7  }
0x116: {  	vm1 =	vgt.s32 v24, $0x27F;
	v34 =	vadd.s32 $0xFFFEC000, v32;
	v24 =	vadd.s32 $0xFFFEC000, v33  }
0x117: {  	v35 =	vor.u32 v10, v26;
	v33 =	vsel vm1, v24, v33;
	v24 =	vsel vm0, v34, v32;
	_ =	sdelay $0x1  }
0x118: {  	v26 =	vadd.s32 v11, v26  }
0x119: {  	s28 =	sshra.s32 s31, $0x2;
	v32 =	vmin.f32 v28, v25;
	v25 =	vmax.f32 v28, v25  }
0x11a: {  	[tilespmem:s28+$0x18080] =	vst v25  }
0x11b: {  	[tilespmem:s28+$0x18000] =	vst v32  }
0x11c: {  	v25 =	vld.idx.msk [tilespmem:v35+s4+$0x0], $0xffff  }
0x11d: {  	v26 =	vld.idx.msk [tilespmem:v26+s4+$0x0], $0xffff;
	_ =	sdelay $0x2  }
0x11e: {  	v28 =	vor.u32 v12, v29;
	v29 =	vadd.s32 v13, v29;
	_ =	sdelay $0x2  }
0x11f: {  	v32 =	vmin.f32 v25, v26;
	v25 =	vmax.f32 v25, v26  }
0x120: {  	[tilespmem:s28+$0x18010] =	vst v32  }
0x121: {  	[tilespmem:s28+$0x18090] =	vst v25  }
0x122: {  	v25 =	vld.idx.msk [tilespmem:v28+s4+$0x0], $0xffff  }
0x123: {  	v26 =	vld.idx.msk [tilespmem:v29+s4+$0x0], $0xffff;
	_ =	sdelay $0x3  }
0x124: {  	v28 =	vor.u32 v14, v27  }
0x125: {  	v27 =	vadd.s32 v15, v27  }
0x126: {  	v29 =	vmin.f32 v25, v26;
	v25 =	vmax.f32 v25, v26  }
0x127: {  	[tilespmem:s28+$0x18020] =	vst v29  }
0x128: {  	[tilespmem:s28+$0x180A0] =	vst v25  }
0x129: {  	v25 =	vld.idx.msk [tilespmem:v28+s4+$0x0], $0xffff  }
0x12a: {  	v26 =	vld.idx.msk [tilespmem:v27+s4+$0x0], $0xffff;
	_ =	sdelay $0x3  }
0x12b: {  	v27 =	vor.u32 v16, v30  }
0x12c: {  	v28 =	vadd.s32 v17, v30  }
0x12d: {  	v29 =	vmin.f32 v25, v26;
	v25 =	vmax.f32 v25, v26  }
0x12e: {  	[tilespmem:s28+$0x18030] =	vst v29  }
0x12f: {  	[tilespmem:s28+$0x180B0] =	vst v25  }
0x130: {  	v25 =	vld.idx.msk [tilespmem:v27+s4+$0x0], $0xffff  }
0x131: {  	v26 =	vld.idx.msk [tilespmem:v28+s4+$0x0], $0xffff;
	_ =	sdelay $0x3  }
0x132: {  	v27 =	vor.u32 v18, v31  }
0x133: {  	v28 =	vadd.s32 v19, v31  }
0x134: {  	v29 =	vmin.f32 v25, v26;
	v25 =	vmax.f32 v25, v26  }
0x135: {  	[tilespmem:s28+$0x18040] =	vst v29  }
0x136: {  	[tilespmem:s28+$0x180C0] =	vst v25  }
0x137: {  	v25 =	vld.idx.msk [tilespmem:v27+s4+$0x0], $0xffff  }
0x138: {  	v26 =	vld.idx.msk [tilespmem:v28+s4+$0x0], $0xffff;
	_ =	sdelay $0x3  }
0x139: {  	v27 =	vor.u32 v20, v33  }
0x13a: {  	v28 =	vadd.s32 v21, v33  }
.Ltmp1:
0x13b: {  	v29 =	vmin.f32 v25, v26;
	v25 =	vmax.f32 v25, v26;
	(pc) =	sbr.rel @p1 .LBB2_5-.Ltmp1, $4  }
0x13c: {  	[tilespmem:s28+$0x18050] =	vst v29  }
0x13d: {  	[tilespmem:s28+$0x180D0] =	vst v25  }
0x13e: {  	v25 =	vld.idx.msk [tilespmem:v27+s4+$0x0], $0xffff  }
0x13f: {  	v26 =	vld.idx.msk [tilespmem:v28+s4+$0x0], $0xffff  }
0x140: {  	_ =	sdelay $0x1  }
0x141: {  	v27 =	vor.u32 v22, v24  }
0x142: {  	v61 =	vadd.s32 v23, v24  }
0x143: {  	v28 =	vmin.f32 v25, v26  }
0x144: {  	v62 =	vmax.f32 v25, v26;
	[tilespmem:s28+$0x18060] =	vst v28  }
0x145: {  	[tilespmem:s28+$0x180E0] =	vst v62  }
0x146: {  	v25 =	vld.idx.msk [tilespmem:v27+s4+$0x0], $0xffff  }
0x147: {  	v24 =	vld.idx.msk [tilespmem:v61+s4+$0x0], $0xffff;
	_ =	sdelay $0x3  }
0x148: {  	s1 =	sshll.u32 s26, $0x11  }
0x149: {  	s1 =	sadd.s32 s5, s1;
	v63 =	vmin.f32 v25, v24  }
0x14a: {  	s25 =	sadd.s32 $0x1, s25;
	s1 =	sshrl.u32 s1, $0x3;
	v24 =	vmax.f32 v25, v24;
	[tilespmem:s28+$0x18070] =	vst v63  }
0x14b: {  	p1 =	sne.s32 s25, $0x10;
	s1 =	sadd.s32 s3, s1;
	[tilespmem:s28+$0x180F0] =	vst v24  }
0x14c: {  	[hbm4b:s1+s12] =	stream.strided.scatter [tilespmem:s19], [sflag:$0x3], $0x4000, s13, s12, $0x38;
	[tilespmem:$0x1C000] =	vst v63  }
.Ltmp2:
0x14d: {  	_ = 	snop;
	(pc) =	sbr.rel @p1 .LBB2_2-.Ltmp2, $4  }
0x14e: {  	s1 =	simm.s32 @!p0 $0x1  }
0x14f: {  	_ =	swait.ge @!p0 [sflag:s1], $0x4000  }
0x150: {  	[sflag:s1] =	ssyncset.done @!p0 $0x0  }
0x151: {  	s24 =	sadd.s32 $0x100, s24;
	s23 =	sadd.s32 $0x100, s23;
	[sflag:s1] =	ssyncadd.s32 @!p0 $0xFFFFC000  }
0x152: {  	s22 =	sadd.s32 $0x1, s22  }
0x153: {  	_ =	swait.ge [sflag:s20], $0x4000;
	p0 =	sne.s32 s22, s10  }
.Ltmp3:
0x154: {  	[sflag:s20] =	ssyncset.done $0x0;
	(pc) =	sbr.rel @p0 .LBB2_1-.Ltmp3, $4  }
0x155: {  	[sflag:s20] =	ssyncadd.s32 $0xFFFFC000  }
0x156: {  	_ =	swait.ge [sflag:s21], $0x4000  }
0x157: {  	[sflag:s21] =	ssyncset.done $0x0  }
0x158: {  	[sflag:s21] =	ssyncadd.s32 $0xFFFFC000  }
0x159: {  	_ =	sfence.sel $0x180000  }
0x15a: {  	[bflag:$0x0] =	sbarrier.arrive $0xFFFF  }
0x15b: {  	_ =	strace $0x90000047  }
0x15c: {  	[bflag:$0x2] =	sbarrier.arrive $0xFFFF  }
0x15d: {  	p0 =	sne.s32 s0, $0x0;
	s0 =	rddreg [dreg:$0x2]  }
0x15e: {  	s0 =	sadd.s32 @!p0 $0x100000, s0  }
0x15f: {  	[sflag:s0] =	ssyncadd.tile.s32 @!p0 $0x1;
	_ =	shalt  }
.Lfunc_end2:
_tile_overlayer_lowered:
.L_overlay_start_2:
0x160: {  	(tag) =	ssettag $0x2  }
0x161: {  	s0 =	rddreg [dreg:$0x0];
	s2 =	stileid.u32  }
0x162: {  	s1 =	rddreg [dreg:$0x1];
	p0 =	sne.s32 s2, $0x0  }
0x163: {  	s3 =	rddreg [dreg:$0x2];
	[bflag:$0x3] =	sbarrier.arrive $0xFFFF;
	s2 =	simm.s32 @!p0 $0x1C04  }
0x164: {  	[timem:s3], [sflag:s2] =	dma.local @!p0 [hbm:s0], s1  }
0x165: {  	s0 =	simm.s32 @!p0 $0x4  }
0x166: {  	_ =	swait.ge @!p0 [sflag:s0], s1  }
0x167: {  	s1 =	ssub.s32 @!p0 $0x0, s1;
	[sflag:s0] =	ssyncset.done @!p0 $0x0  }
0x168: {  	[sflag:s0] =	ssyncadd.s32 @!p0 s1  }
0x169: {  	[bflag:$0x3] =	sbarrier.arrive $0xFFFF  }
0x16a: {  	_ =	shalt  }

</sc_bundles>
